<compile_context>
chip_gen: v7x
topology: tpu7x:2x2x1
jax: 0.10.2.dev20260603
libtpu: 0.0.44.dev20260713+nightly
codegen_flags: <defaults>
</compile_context>

<pallas_src>
import functools

import jax
import jax.numpy as jnp
from jax import lax
from jax.experimental import pallas as pl
from jax.experimental.pallas import tpu as pltpu
from jax.experimental.pallas import tpu_sc as plsc

EMB_DIM = 64
PADW = 128
N_ROWS = 1000000
CHUNK_C = 512
NFULL = 1953
TAIL0 = NFULL * CHUNK_C
BATCH = 16384
NC = 2
NS = 16
NW = NC * NS
B_PER_W = BATCH // NW
NGROUP = B_PER_W // 16
KPT = (NFULL + NW - 1) // NW
GATH_ROWS = BATCH + 16


def _extract_body(users_hbm, items_hbm, uft_hbm, vft_hbm, ug_out, vg_out,
                  idxall, hits, buf, stage, bscat, semi0, semi1, sems):
    wid = lax.axis_index("s") * NC + lax.axis_index("c")
    lane = lax.iota(jnp.int32, 16)
    semi = (semi0, semi1)

    def wait_in(p):
        pltpu.make_async_copy(
            uft_hbm.at[:, pl.ds(0, CHUNK_C)], buf.at[p], semi[p]
        ).wait()

    def drain_scat(n):
        for _ in range(n):
            pltpu.make_async_copy(
                uft_hbm.at[pl.ds(0, 16), pl.ds(0, PADW)], stage.at[0], sems
            ).wait()

    for t, (src_idx, src_tab, dst) in enumerate((
        (users_hbm, uft_hbm, ug_out),
        (items_hbm, vft_hbm, vg_out),
    )):
        pltpu.sync_copy(src_idx, idxall)

        def scan_body(vi, cur, src_tab=src_tab):
            x = idxall[pl.ds(vi * 16, 16)]
            mine = ((lax.shift_right_logical(x, 9) & 31) == wid) & (x < TAIL0)
            h = (
                (lax.shift_right_logical(x, 14) << 23)
                + ((x & 511) << 14)
                + (vi * 16 + lane)
            )
            plsc.store_compressed(hits.at[pl.ds(cur, 16)], h, mask=mine)
            cnt = plsc.all_reduce_population_count(mine)
            return cur + cnt[0]

        n_hits = lax.fori_loop(0, BATCH // 16, scan_body, 0)
        hits[pl.ds(n_hits, 16)] = jnp.full((16,), 63 << 23, jnp.int32)
        nv = lax.shift_right_logical(n_hits + 15, 4)

        def start_in(k, p, src_tab=src_tab):
            ci = wid + NW * k

            @pl.when(ci < NFULL)
            def _():
                pltpu.async_copy(
                    src_tab.at[:, pl.ds(ci * CHUNK_C, CHUNK_C)],
                    buf.at[p],
                    semi[p],
                )

        start_in(0, 0)

        def step(k, p, nsc, nv=nv, dst=dst, start_in=start_in):
            start_in(k + 1, 1 - p)

            @pl.when(wid + NW * k < NFULL)
            def _():
                wait_in(p)

            def hv_body(i, nsc, k=k, p=p, dst=dst):
                hv = hits[pl.ds(i * 16, 16)]
                m2 = lax.shift_right_logical(hv, 23) == k
                any_hit = plsc.all_reduce_population_count(m2)[0]

                def do_extract():
                    cvec = lax.shift_right_logical(hv, 14) & 511
                    bvec = hv & 16383
                    sp = lax.rem(nsc, 2)

                    @pl.when(nsc >= 2)
                    def _():
                        drain_scat(1)

                    bsel = sp
                    bscat[bsel, pl.ds(0, 16)] = jnp.where(m2, bvec, BATCH + lane)

                    def dloop(d, _):
                        vals = plsc.load_gather(
                            buf, [jnp.broadcast_to(p, (16,)),
                                  jnp.broadcast_to(d, (16,)), cvec]
                        )
                        plsc.store_scatter(
                            stage,
                            [jnp.broadcast_to(bsel, (16,)), lane,
                             jnp.broadcast_to(d, (16,))],
                            vals,
                        )
                        return 0

                    lax.fori_loop(0, EMB_DIM, dloop, 0)
                    pltpu.async_copy(
                        stage.at[bsel], dst.at[bscat.at[bsel]], sems
                    )

                @pl.when(any_hit > 0)
                def _():
                    do_extract()

                return lax.select(any_hit > 0, nsc + 1, nsc)

            nsc = lax.fori_loop(0, nv, hv_body, nsc)
            return nsc

        def pairbody(jj, nsc, step=step):
            nsc = step(2 * jj, 0, nsc)
            nsc = step(2 * jj + 1, 1, nsc)
            return nsc

        nsc = lax.fori_loop(0, KPT // 2, pairbody, 0)

        @pl.when(nsc >= 1)
        def _():
            drain_scat(1)

        @pl.when(nsc >= 2)
        def _():
            drain_scat(1)


@jax.jit
def _extract(users, items, uft, vft):
    mesh = plsc.VectorSubcoreMesh(core_axis_name="c", subcore_axis_name="s")
    k = functools.partial(
        pl.kernel,
        mesh=mesh,
        compiler_params=pltpu.CompilerParams(needs_layout_passes=False),
        out_type=(
            jax.ShapeDtypeStruct((GATH_ROWS, PADW), jnp.float32),
            jax.ShapeDtypeStruct((GATH_ROWS, PADW), jnp.float32),
        ),
        scratch_types=[
            pltpu.VMEM((BATCH,), jnp.int32),
            pltpu.VMEM((BATCH + 16,), jnp.int32),
            pltpu.VMEM((2, EMB_DIM, CHUNK_C), jnp.float32),
            pltpu.VMEM((2, 16, PADW), jnp.float32),
            pltpu.VMEM((2, 16), jnp.int32),
            pltpu.SemaphoreType.DMA,
            pltpu.SemaphoreType.DMA,
            pltpu.SemaphoreType.DMA,
        ],
    )(_extract_body)
    return k(users, items, uft, vft)


def _dot_body(users_hbm, items_hbm, ug_hbm, vg_hbm, uft_hbm, vft_hbm,
              ub_hbm, ib_hbm, out_hbm,
              idxu, idxv, urows, vrows, bub, bib, tailu, tailv, outv,
              sem_u, sem_v, sem_b):
    wid = lax.axis_index("s") * NC + lax.axis_index("c")
    base = wid * B_PER_W

    pltpu.sync_copy(users_hbm.at[wid], idxu)
    pltpu.sync_copy(items_hbm.at[wid], idxv)
    pltpu.sync_copy(uft_hbm.at[:, pl.ds(TAIL0, EMB_DIM)], tailu)
    pltpu.sync_copy(vft_hbm.at[:, pl.ds(TAIL0, EMB_DIM)], tailv)

    def issue(g, gb):
        pltpu.async_copy(ug_hbm.at[pl.ds(base + g * 16, 16), :], urows.at[gb], sem_u)
        pltpu.async_copy(vg_hbm.at[pl.ds(base + g * 16, 16), :], vrows.at[gb], sem_v)
        pltpu.async_copy(ub_hbm.at[idxu.at[pl.ds(g * 16, 16)]], bub.at[gb], sem_b)
        pltpu.async_copy(ib_hbm.at[idxv.at[pl.ds(g * 16, 16)]], bib.at[gb], sem_b)

    def drain(gb):
        pltpu.make_async_copy(ug_hbm.at[pl.ds(0, 16), :], urows.at[gb], sem_u).wait()
        pltpu.make_async_copy(vg_hbm.at[pl.ds(0, 16), :], vrows.at[gb], sem_v).wait()
        pltpu.make_async_copy(ub_hbm.at[pl.ds(0, 16)], bub.at[gb], sem_b).wait()
        pltpu.make_async_copy(ib_hbm.at[pl.ds(0, 16)], bib.at[gb], sem_b).wait()

    lane = lax.iota(jnp.int32, 16)

    issue(0, 0)

    def gbody(g, _):
        gb = lax.rem(g, 2)

        @pl.when(g + 1 < NGROUP)
        def _():
            issue(g + 1, 1 - gb)

        drain(gb)
        gbv = jnp.broadcast_to(gb, (16,))
        cuv = idxu[pl.ds(g * 16, 16)]
        cvv = idxv[pl.ds(g * 16, 16)]
        mu = cuv >= TAIL0
        mv = cvv >= TAIL0
        tu = jnp.maximum(cuv - TAIL0, 0)
        tv = jnp.maximum(cvv - TAIL0, 0)
        acc0 = bub[gb] + bib[gb]

        def dbody(d, acc):
            dd = jnp.broadcast_to(d, (16,))
            du = plsc.load_gather(urows, [gbv, lane, dd])
            dv = plsc.load_gather(vrows, [gbv, lane, dd])
            du_t = plsc.load_gather(tailu, [dd, tu])
            dv_t = plsc.load_gather(tailv, [dd, tv])
            du = jnp.where(mu, du_t, du)
            dv = jnp.where(mv, dv_t, dv)
            return acc + du * dv

        acc = lax.fori_loop(0, EMB_DIM, dbody, acc0, unroll=8)
        outv[g] = acc
        return 0

    lax.fori_loop(0, NGROUP, gbody, 0)

    pltpu.sync_copy(outv, out_hbm.at[wid])


@jax.jit
def _dot(users_r, items_r, ug, vg, uft, vft, ub, ib):
    mesh = plsc.VectorSubcoreMesh(core_axis_name="c", subcore_axis_name="s")
    k = functools.partial(
        pl.kernel,
        mesh=mesh,
        compiler_params=pltpu.CompilerParams(needs_layout_passes=False),
        out_type=jax.ShapeDtypeStruct((NW, NGROUP, 16), jnp.float32),
        scratch_types=[
            pltpu.VMEM((B_PER_W,), jnp.int32),
            pltpu.VMEM((B_PER_W,), jnp.int32),
            pltpu.VMEM((2, 16, PADW), jnp.float32),
            pltpu.VMEM((2, 16, PADW), jnp.float32),
            pltpu.VMEM((2, 16), jnp.float32),
            pltpu.VMEM((2, 16), jnp.float32),
            pltpu.VMEM((EMB_DIM, EMB_DIM), jnp.float32),
            pltpu.VMEM((EMB_DIM, EMB_DIM), jnp.float32),
            pltpu.VMEM((NGROUP, 16), jnp.float32),
            pltpu.SemaphoreType.DMA,
            pltpu.SemaphoreType.DMA,
            pltpu.SemaphoreType.DMA,
        ],
    )(_dot_body)
    return k(users_r, items_r, ug, vg, uft, vft, ub, ib)


def kernel(users, items, user_factors, item_factors, user_biases, item_biases):
    users_i = users.astype(jnp.int32)
    items_i = items.astype(jnp.int32)
    users_r = users_i.reshape(NW, B_PER_W)
    items_r = items_i.reshape(NW, B_PER_W)
    uft = user_factors.T
    vft = item_factors.T
    ub = user_biases.reshape(-1)
    ib = item_biases.reshape(-1)
    ug, vg = _extract(users_i, items_i, uft, vft)
    out = _dot(users_r, items_r, ug, vg, uft, vft, ub, ib)
    return out.reshape(BATCH)

# --- scband reference (transcript-rebuilt; emitter-appended) ---
"""Pipeline reference for scband-bprmatrix-factorization-3238405341636 (READ-ONLY COPY).

The authoritative reference and input builder live on the scoring server;
editing this copy changes nothing except your own understanding.
"""

import jax, jax.numpy as jnp
import numpy as np

N_USERS = 1000000
N_ITEMS = 1000000
EMB_DIM = 64
BATCH = 16384


def setup_inputs(seed: int = 0) -> dict:
    key = jax.random.key(seed)
    k1, k2, k3, k4 = jax.random.split(key, 4)
    users = jax.random.randint(k1, (BATCH,), 0, N_USERS, dtype=jnp.int64) if jax.config.jax_enable_x64 else jax.random.randint(k1, (BATCH,), 0, N_USERS, dtype=jnp.int32)
    items = jax.random.randint(k2, (BATCH,), 0, N_ITEMS, dtype=jnp.int32)
    user_factors = jax.random.normal(k3, (N_USERS, EMB_DIM), dtype=jnp.float32) * 0.01
    item_factors = jax.random.normal(k4, (N_ITEMS, EMB_DIM), dtype=jnp.float32) * 0.01
    user_biases = jnp.zeros((N_USERS, 1), dtype=jnp.float32)
    item_biases = jnp.zeros((N_ITEMS, 1), dtype=jnp.float32)
    return {
        "users": users,
        "items": items,
        "user_factors": user_factors,
        "item_factors": item_factors,
        "user_biases": user_biases,
        "item_biases": item_biases,
    }


def reference(users, items, user_factors, item_factors, user_biases, item_biases):
    u = jnp.take(user_factors, users, axis=0)          # [B, D]
    v = jnp.take(item_factors, items, axis=0)          # [B, D]
    dot = jnp.sum(u * v, axis=1)                        # [B]
    bu = jnp.take(user_biases, users, axis=0).reshape(-1)  # [B]
    bi = jnp.take(item_biases, items, axis=0).reshape(-1)  # [B]
    return dot + bu + bi

if __name__ == "__main__":
    import jax
    _d = setup_inputs()
    print(jax.jit(kernel)(*tuple(_d.values())))

</pallas_src>

<mosaic_0001>
#map = affine_map<(d0, d1) -> (0)>
#map1 = affine_map<(d0, d1) -> (0, 0)>
module attributes {stable_mosaic.version = 14 : i64} {
  func.func @_extract_body(%arg0: i32, %arg1: i32, %arg2: memref<16384xi32, #tpu.memory_space<hbm>>, %arg3: memref<16384xi32, #tpu.memory_space<hbm>>, %arg4: memref<64x1000000xf32, #tpu.memory_space<hbm>>, %arg5: memref<64x1000000xf32, #tpu.memory_space<hbm>>, %arg6: memref<16400x128xf32, #tpu.memory_space<hbm>>, %arg7: memref<16400x128xf32, #tpu.memory_space<hbm>>, %arg8: memref<16384xi32, #tpu.memory_space<vmem>>, %arg9: memref<16400xi32, #tpu.memory_space<vmem>>, %arg10: memref<2x64x512xf32, #tpu.memory_space<vmem>>, %arg11: memref<2x16x128xf32, #tpu.memory_space<vmem>>, %arg12: memref<2x16xi32, #tpu.memory_space<vmem>>, %arg13: memref<!tpu.dma_semaphore, #tpu.memory_space<semaphore_mem>>, %arg14: memref<!tpu.dma_semaphore, #tpu.memory_space<semaphore_mem>>, %arg15: memref<!tpu.dma_semaphore, #tpu.memory_space<semaphore_mem>>) attributes {dimension_semantics = [#tpu.dimension_semantics<core_parallel>, #tpu.dimension_semantics<subcore_parallel>], iteration_bounds = array<i64: 2, 16>, scalar_prefetch = 0 : i64, scratch_operands = 8 : i64, tpu.core_type = #tpu.core_type<sc_vector_subcore>, window_params = [{transform_indices = #map}, {transform_indices = #map}, {transform_indices = #map1}, {transform_indices = #map1}, {transform_indices = #map1}, {transform_indices = #map1}]} {
    %mul3A = arith.constant 2 : i32
    %mul3A_0 = arith.muli %arg1, %mul3A : i32
    %add3A = arith.addi %mul3A_0, %arg0 : i32
    %iota3A = tpu.iota {dimensions = array<i32: 0>} : vector<16xi32>
    "tpu.region"() ({
      %run_scoped3A = tpu.sem_alloc : memref<!tpu.dma_semaphore, #tpu.memory_space<semaphore_mem>>
      tpu.enqueue_dma source(%arg2 : memref<16384xi32, #tpu.memory_space<hbm>>) target(%arg8 : memref<16384xi32, #tpu.memory_space<vmem>>) target_semaphore(%run_scoped3A : memref<!tpu.dma_semaphore, #tpu.memory_space<semaphore_mem>>)
      tpu.wait_dma2 semaphore(%run_scoped3A : memref<!tpu.dma_semaphore, #tpu.memory_space<semaphore_mem>>) src(%arg2 : memref<16384xi32, #tpu.memory_space<hbm>>) dst(%arg8 : memref<16384xi32, #tpu.memory_space<vmem>>)
      tpu.yield
    }) : () -> ()
    %scan3A = arith.constant 0 : i32
    %scan3A_1 = arith.constant 0 : i32
    %scan3A_2 = arith.constant 1024 : i32
    %scan3A_3 = arith.addi %scan3A_1, %scan3A_2 : i32
    %scan3A_4 = arith.constant 1 : i32
    %scan3A_5 = scf.for %scan3A_71 = %scan3A_1 to %scan3A_3 step %scan3A_4 iter_args(%scan3A_72 = %scan3A) -> (i32)  : i32 {
      %mul3A_73 = arith.constant 16 : i32
      %mul3A_74 = arith.muli %scan3A_71, %mul3A_73 : i32
      %get3A = arith.index_cast %mul3A_74 : i32 to index
      %get3A_75 = tpu.vector_load %arg8[%get3A] {strides = array<i32>} : memref<16384xi32, #tpu.memory_space<vmem>>, vector<16xi32>,
      %shift_right_logical3A_76 = arith.constant 9 : i32
      %shift_right_logical3A_77 = vector.broadcast %shift_right_logical3A_76 : i32 to vector<16xi32>
      %shift_right_logical3A_78 = arith.shrui %get3A_75, %shift_right_logical3A_77 : vector<16xi32>
      %and3A = arith.constant 31 : i32
      %and3A_79 = vector.broadcast %and3A : i32 to vector<16xi32>
      %and3A_80 = arith.andi %shift_right_logical3A_78, %and3A_79 : vector<16xi32>
      %eq3A = vector.broadcast %add3A : i32 to vector<16xi32>
      %eq3A_81 = arith.cmpi eq, %and3A_80, %eq3A : vector<16xi32>
      %lt3A_82 = arith.constant 999936 : i32
      %lt3A_83 = vector.broadcast %lt3A_82 : i32 to vector<16xi32>
      %lt3A_84 = arith.cmpi slt, %get3A_75, %lt3A_83 : vector<16xi32>
      %and3A_85 = arith.andi %eq3A_81, %lt3A_84 : vector<16xi1>
      %shift_right_logical3A_86 = arith.constant 14 : i32
      %shift_right_logical3A_87 = vector.broadcast %shift_right_logical3A_86 : i32 to vector<16xi32>
      %shift_right_logical3A_88 = arith.shrui %get3A_75, %shift_right_logical3A_87 : vector<16xi32>
      %shift_left3A = arith.constant 23 : i32
      %shift_left3A_89 = vector.broadcast %shift_left3A : i32 to vector<16xi32>
      %shift_left3A_90 = arith.shli %shift_right_logical3A_88, %shift_left3A_89 : vector<16xi32>
      %and3A_91 = arith.constant 511 : i32
      %and3A_92 = vector.broadcast %and3A_91 : i32 to vector<16xi32>
      %and3A_93 = arith.andi %get3A_75, %and3A_92 : vector<16xi32>
      %shift_left3A_94 = arith.constant 14 : i32
      %shift_left3A_95 = vector.broadcast %shift_left3A_94 : i32 to vector<16xi32>
      %shift_left3A_96 = arith.shli %and3A_93, %shift_left3A_95 : vector<16xi32>
      %add3A_97 = arith.addi %shift_left3A_90, %shift_left3A_96 : vector<16xi32>
      %mul3A_98 = arith.constant 16 : i32
      %mul3A_99 = arith.muli %scan3A_71, %mul3A_98 : i32
      %add3A_100 = vector.broadcast %mul3A_99 : i32 to vector<16xi32>
      %add3A_101 = arith.addi %add3A_100, %iota3A : vector<16xi32>
      %add3A_102 = arith.addi %add3A_97, %add3A_101 : vector<16xi32>
      %swap3A_103 = arith.index_cast %scan3A_72 : i32 to index
      %swap3A_104 = tpu.vector_load %arg9[%swap3A_103] masked %and3A_85 {strides = array<i32>} : memref<16400xi32, #tpu.memory_space<vmem>>, vector<16xi32>, vector<16xi1>
      tpu.vector_store %arg9[%swap3A_103], %add3A_102 masked %and3A_85 {strides = array<i32>} : memref<16400xi32, #tpu.memory_space<vmem>>, vector<16xi32>, vector<16xi1>
      %all_reduce_population_count3A = tpu.all_reduce %and3A_85 {dim = 0 : i64, kind = #tpu.reduction_kind<sum>} : vector<16xi1> -> vector<16xi32>
      %slice3A = vector.extract_strided_slice %all_reduce_population_count3A {offsets = [0], sizes = [1], strides = [1]} : vector<16xi32> to vector<1xi32>
      %squeeze3A = vector.extract %slice3A[0] : i32 from vector<1xi32>
      %add3A_105 = arith.addi %scan3A_72, %squeeze3A : i32
      scf.yield %add3A_105 : i32
    }
    %scan3A_6 = arith.constant 1024 : i32
    %broadcast_in_dim3A = arith.constant 528482304 : i32
    %broadcast_in_dim3A_7 = vector.broadcast %broadcast_in_dim3A : i32 to vector<16xi32>
    %swap3A = arith.index_cast %scan3A_5 : i32 to index
    %swap3A_8 = tpu.vector_load %arg9[%swap3A] {strides = array<i32>} : memref<16400xi32, #tpu.memory_space<vmem>>, vector<16xi32>,
    tpu.vector_store %arg9[%swap3A], %broadcast_in_dim3A_7 {strides = array<i32>} : memref<16400xi32, #tpu.memory_space<vmem>>, vector<16xi32>,
    %add3A_9 = arith.constant 15 : i32
    %add3A_10 = arith.addi %scan3A_5, %add3A_9 : i32
    %shift_right_logical3A = arith.constant 4 : i32
    %shift_right_logical3A_11 = arith.shrui %add3A_10, %shift_right_logical3A : i32
    %add3A_12 = arith.constant 0 : i32
    %add3A_13 = arith.addi %add3A, %add3A_12 : i32
    %lt3A = arith.constant 1953 : i32
    %lt3A_14 = arith.cmpi slt, %add3A_13, %lt3A : i32
    %convert_element_type3A = arith.extui %lt3A_14 : i1 to i32
    %cond3A = arith.constant 0 : i32
    %cond3A_15 = arith.cmpi ne, %convert_element_type3A, %cond3A : i32
    scf.if %cond3A_15 {
      %mul3A_71 = arith.constant 512 : i32
      %mul3A_72 = arith.muli %add3A_13, %mul3A_71 : i32
      %dma_start3A = arith.constant 0 : i32
      %dma_start3A_73 = arith.constant 0 : i32
      %dma_start3A_74 = arith.constant 0 : i32
      %dma_start3A_75 = tpu.memref_slice %arg10[%dma_start3A, %dma_start3A_73, %dma_start3A_74] : memref<2x64x512xf32, #tpu.memory_space<vmem>> -> memref<1x64x512xf32, #tpu.memory_space<vmem>>
      %dma_start3A_76 = tpu.memref_squeeze %dma_start3A_75 : memref<1x64x512xf32, #tpu.memory_space<vmem>> -> memref<64x512xf32, #tpu.memory_space<vmem>>
      %dma_start3A_77 = arith.constant 0 : i32
      %dma_start3A_78 = tpu.memref_slice %arg4[%dma_start3A_77, %mul3A_72] : memref<64x1000000xf32, #tpu.memory_space<hbm>> -> memref<64x512xf32, #tpu.memory_space<hbm>>
      %dma_start3A_79 = arith.constant 0 : i32
      %dma_start3A_80 = arith.constant 0 : i32
      %dma_start3A_81 = tpu.memref_slice %arg10[%dma_start3A, %dma_start3A_79, %dma_start3A_80] : memref<2x64x512xf32, #tpu.memory_space<vmem>> -> memref<1x64x512xf32, #tpu.memory_space<vmem>>
      %dma_start3A_82 = tpu.memref_squeeze %dma_start3A_81 : memref<1x64x512xf32, #tpu.memory_space<vmem>> -> memref<64x512xf32, #tpu.memory_space<vmem>>
      %dma_start3A_83 = arith.constant 0 : i32
      %dma_start3A_84 = tpu.memref_slice %arg4[%dma_start3A_83, %mul3A_72] : memref<64x1000000xf32, #tpu.memory_space<hbm>> -> memref<64x512xf32, #tpu.memory_space<hbm>>
      tpu.enqueue_dma source(%dma_start3A_84 : memref<64x512xf32, #tpu.memory_space<hbm>>) target(%dma_start3A_82 : memref<64x512xf32, #tpu.memory_space<vmem>>) target_semaphore(%arg13 : memref<!tpu.dma_semaphore, #tpu.memory_space<semaphore_mem>>)
    } else {
    }
    %scan3A_16 = arith.constant 0 : i32
    %scan3A_17 = arith.constant 0 : i32
    %scan3A_18 = arith.constant 31 : i32
    %scan3A_19 = arith.addi %scan3A_17, %scan3A_18 : i32
    %scan3A_20 = arith.constant 1 : i32
    %scan3A_21 = scf.for %scan3A_71 = %scan3A_17 to %scan3A_19 step %scan3A_20 iter_args(%scan3A_72 = %scan3A_16) -> (i32)  : i32 {
      %mul3A_73 = arith.constant 2 : i32
      %mul3A_74 = arith.muli %mul3A_73, %scan3A_71 : i32
      %add3A_75 = arith.constant 1 : i32
      %add3A_76 = arith.addi %mul3A_74, %add3A_75 : i32
      %mul3A_77 = arith.constant 32 : i32
      %mul3A_78 = arith.muli %mul3A_77, %add3A_76 : i32
      %add3A_79 = arith.addi %add3A, %mul3A_78 : i32
      %lt3A_80 = arith.constant 1953 : i32
      %lt3A_81 = arith.cmpi slt, %add3A_79, %lt3A_80 : i32
      %convert_element_type3A_82 = arith.extui %lt3A_81 : i1 to i32
      %cond3A_83 = arith.constant 0 : i32
      %cond3A_84 = arith.cmpi ne, %convert_element_type3A_82, %cond3A_83 : i32
      scf.if %cond3A_84 {
        %mul3A_136 = arith.constant 512 : i32
        %mul3A_137 = arith.muli %add3A_79, %mul3A_136 : i32
        %dma_start3A = arith.constant 1 : i32
        %dma_start3A_138 = arith.constant 0 : i32
        %dma_start3A_139 = arith.constant 0 : i32
        %dma_start3A_140 = tpu.memref_slice %arg10[%dma_start3A, %dma_start3A_138, %dma_start3A_139] : memref<2x64x512xf32, #tpu.memory_space<vmem>> -> memref<1x64x512xf32, #tpu.memory_space<vmem>>
        %dma_start3A_141 = tpu.memref_squeeze %dma_start3A_140 : memref<1x64x512xf32, #tpu.memory_space<vmem>> -> memref<64x512xf32, #tpu.memory_space<vmem>>
        %dma_start3A_142 = arith.constant 0 : i32
        %dma_start3A_143 = tpu.memref_slice %arg4[%dma_start3A_142, %mul3A_137] : memref<64x1000000xf32, #tpu.memory_space<hbm>> -> memref<64x512xf32, #tpu.memory_space<hbm>>
        %dma_start3A_144 = arith.constant 0 : i32
        %dma_start3A_145 = arith.constant 0 : i32
        %dma_start3A_146 = tpu.memref_slice %arg10[%dma_start3A, %dma_start3A_144, %dma_start3A_145] : memref<2x64x512xf32, #tpu.memory_space<vmem>> -> memref<1x64x512xf32, #tpu.memory_space<vmem>>
        %dma_start3A_147 = tpu.memref_squeeze %dma_start3A_146 : memref<1x64x512xf32, #tpu.memory_space<vmem>> -> memref<64x512xf32, #tpu.memory_space<vmem>>
        %dma_start3A_148 = arith.constant 0 : i32
        %dma_start3A_149 = tpu.memref_slice %arg4[%dma_start3A_148, %mul3A_137] : memref<64x1000000xf32, #tpu.memory_space<hbm>> -> memref<64x512xf32, #tpu.memory_space<hbm>>
        tpu.enqueue_dma source(%dma_start3A_149 : memref<64x512xf32, #tpu.memory_space<hbm>>) target(%dma_start3A_147 : memref<64x512xf32, #tpu.memory_space<vmem>>) target_semaphore(%arg14 : memref<!tpu.dma_semaphore, #tpu.memory_space<semaphore_mem>>)
      } else {
      }
      %mul3A_85 = arith.constant 32 : i32
      %mul3A_86 = arith.muli %mul3A_85, %mul3A_74 : i32
      %add3A_87 = arith.addi %add3A, %mul3A_86 : i32
      %lt3A_88 = arith.constant 1953 : i32
      %lt3A_89 = arith.cmpi slt, %add3A_87, %lt3A_88 : i32
      %convert_element_type3A_90 = arith.extui %lt3A_89 : i1 to i32
      %cond3A_91 = arith.constant 0 : i32
      %cond3A_92 = arith.cmpi ne, %convert_element_type3A_90, %cond3A_91 : i32
      scf.if %cond3A_92 {
        %dma_wait3A = arith.constant 0 : i32
        %dma_wait3A_136 = arith.constant 0 : i32
        %dma_wait3A_137 = arith.constant 0 : i32
        %dma_wait3A_138 = tpu.memref_slice %arg10[%dma_wait3A, %dma_wait3A_136, %dma_wait3A_137] : memref<2x64x512xf32, #tpu.memory_space<vmem>> -> memref<1x64x512xf32, #tpu.memory_space<vmem>>
        %dma_wait3A_139 = tpu.memref_squeeze %dma_wait3A_138 : memref<1x64x512xf32, #tpu.memory_space<vmem>> -> memref<64x512xf32, #tpu.memory_space<vmem>>
        %dma_wait3A_140 = arith.constant 0 : i32
        %dma_wait3A_141 = arith.constant 0 : i32
        %dma_wait3A_142 = tpu.memref_slice %arg4[%dma_wait3A_140, %dma_wait3A_141] : memref<64x1000000xf32, #tpu.memory_space<hbm>> -> memref<64x512xf32, #tpu.memory_space<hbm>>
        %dma_wait3A_143 = arith.constant 0 : i32
        %dma_wait3A_144 = arith.constant 0 : i32
        %dma_wait3A_145 = tpu.memref_slice %arg10[%dma_wait3A, %dma_wait3A_143, %dma_wait3A_144] : memref<2x64x512xf32, #tpu.memory_space<vmem>> -> memref<1x64x512xf32, #tpu.memory_space<vmem>>
        %dma_wait3A_146 = tpu.memref_squeeze %dma_wait3A_145 : memref<1x64x512xf32, #tpu.memory_space<vmem>> -> memref<64x512xf32, #tpu.memory_space<vmem>>
        %dma_wait3A_147 = arith.constant 0 : i32
        %dma_wait3A_148 = arith.constant 0 : i32
        %dma_wait3A_149 = tpu.memref_slice %arg4[%dma_wait3A_147, %dma_wait3A_148] : memref<64x1000000xf32, #tpu.memory_space<hbm>> -> memref<64x512xf32, #tpu.memory_space<hbm>>
        tpu.wait_dma2 semaphore(%arg13 : memref<!tpu.dma_semaphore, #tpu.memory_space<semaphore_mem>>) src(%dma_wait3A_149 : memref<64x512xf32, #tpu.memory_space<hbm>>) dst(%dma_wait3A_146 : memref<64x512xf32, #tpu.memory_space<vmem>>)
      } else {
      }
      %while3A = arith.constant 0 : i32
      %while3A_93 = arith.subi %shift_right_logical3A_11, %while3A : i32
      %while3A_94 = arith.addi %while3A, %while3A_93 : i32
      %while3A_95 = arith.constant 1 : i32
      %while3A_96 = arith.divsi %while3A_93, %while3A_95 : i32
      %while3A_97 = arith.muli %while3A_96, %while3A_95 : i32
      %while3A_98 = arith.addi %while3A, %while3A_97 : i32
      %while3A_99 = arith.constant 1 : i32
      %while3A_100 = scf.for %while3A_136 = %while3A to %while3A_98 step %while3A_99 iter_args(%while3A_137 = %scan3A_72) -> (i32)  : i32 {
        %mul3A_138 = arith.constant 16 : i32
        %mul3A_139 = arith.muli %while3A_136, %mul3A_138 : i32
        %get3A = arith.index_cast %mul3A_139 : i32 to index
        %get3A_140 = tpu.vector_load %arg9[%get3A] {strides = array<i32>} : memref<16400xi32, #tpu.memory_space<vmem>>, vector<16xi32>,
        %shift_right_logical3A_141 = arith.constant 23 : i32
        %shift_right_logical3A_142 = vector.broadcast %shift_right_logical3A_141 : i32 to vector<16xi32>
        %shift_right_logical3A_143 = arith.shrui %get3A_140, %shift_right_logical3A_142 : vector<16xi32>
        %eq3A = vector.broadcast %mul3A_74 : i32 to vector<16xi32>
        %eq3A_144 = arith.cmpi eq, %shift_right_logical3A_143, %eq3A : vector<16xi32>
        %all_reduce_population_count3A = tpu.all_reduce %eq3A_144 {dim = 0 : i64, kind = #tpu.reduction_kind<sum>} : vector<16xi1> -> vector<16xi32>
        %slice3A = vector.extract_strided_slice %all_reduce_population_count3A {offsets = [0], sizes = [1], strides = [1]} : vector<16xi32> to vector<1xi32>
        %squeeze3A = vector.extract %slice3A[0] : i32 from vector<1xi32>
        %gt3A = arith.constant 0 : i32
        %gt3A_145 = arith.cmpi sgt, %squeeze3A, %gt3A : i32
        %convert_element_type3A_146 = arith.extui %gt3A_145 : i1 to i32
        %cond3A_147 = arith.constant 0 : i32
        %cond3A_148 = arith.cmpi ne, %convert_element_type3A_146, %cond3A_147 : i32
        scf.if %cond3A_148 {
          %shift_right_logical3A_153 = arith.constant 14 : i32
          %shift_right_logical3A_154 = vector.broadcast %shift_right_logical3A_153 : i32 to vector<16xi32>
          %shift_right_logical3A_155 = arith.shrui %get3A_140, %shift_right_logical3A_154 : vector<16xi32>
          %and3A = arith.constant 511 : i32
          %and3A_156 = vector.broadcast %and3A : i32 to vector<16xi32>
          %and3A_157 = arith.andi %shift_right_logical3A_155, %and3A_156 : vector<16xi32>
          %and3A_158 = arith.constant 16383 : i32
          %and3A_159 = vector.broadcast %and3A_158 : i32 to vector<16xi32>
          %and3A_160 = arith.andi %get3A_140, %and3A_159 : vector<16xi32>
          %rem3A = arith.constant 2 : i32
          %rem3A_161 = arith.remsi %while3A_137, %rem3A : i32
          %ge3A_162 = arith.constant 2 : i32
          %ge3A_163 = arith.cmpi sge, %while3A_137, %ge3A_162 : i32
          %convert_element_type3A_164 = arith.extui %ge3A_163 : i1 to i32
          %cond3A_165 = arith.constant 0 : i32
          %cond3A_166 = arith.cmpi ne, %convert_element_type3A_164, %cond3A_165 : i32
          scf.if %cond3A_166 {
            %dma_wait3A = arith.constant 0 : i32
            %dma_wait3A_190 = arith.constant 0 : i32
            %dma_wait3A_191 = arith.constant 0 : i32
            %dma_wait3A_192 = tpu.memref_slice %arg11[%dma_wait3A, %dma_wait3A_190, %dma_wait3A_191] : memref<2x16x128xf32, #tpu.memory_space<vmem>> -> memref<1x16x128xf32, #tpu.memory_space<vmem>>
            %dma_wait3A_193 = tpu.memref_squeeze %dma_wait3A_192 : memref<1x16x128xf32, #tpu.memory_space<vmem>> -> memref<16x128xf32, #tpu.memory_space<vmem>>
            %dma_wait3A_194 = arith.constant 0 : i32
            %dma_wait3A_195 = arith.constant 0 : i32
            %dma_wait3A_196 = tpu.memref_slice %arg4[%dma_wait3A_194, %dma_wait3A_195] : memref<64x1000000xf32, #tpu.memory_space<hbm>> -> memref<16x128xf32, #tpu.memory_space<hbm>>
            %dma_wait3A_197 = arith.constant 0 : i32
            %dma_wait3A_198 = arith.constant 0 : i32
            %dma_wait3A_199 = tpu.memref_slice %arg11[%dma_wait3A, %dma_wait3A_197, %dma_wait3A_198] : memref<2x16x128xf32, #tpu.memory_space<vmem>> -> memref<1x16x128xf32, #tpu.memory_space<vmem>>
            %dma_wait3A_200 = tpu.memref_squeeze %dma_wait3A_199 : memref<1x16x128xf32, #tpu.memory_space<vmem>> -> memref<16x128xf32, #tpu.memory_space<vmem>>
            %dma_wait3A_201 = arith.constant 0 : i32
            %dma_wait3A_202 = arith.constant 0 : i32
            %dma_wait3A_203 = tpu.memref_slice %arg4[%dma_wait3A_201, %dma_wait3A_202] : memref<64x1000000xf32, #tpu.memory_space<hbm>> -> memref<16x128xf32, #tpu.memory_space<hbm>>
            tpu.wait_dma2 semaphore(%arg15 : memref<!tpu.dma_semaphore, #tpu.memory_space<semaphore_mem>>) src(%dma_wait3A_203 : memref<16x128xf32, #tpu.memory_space<hbm>>) dst(%dma_wait3A_200 : memref<16x128xf32, #tpu.memory_space<vmem>>)
          } else {
          }
          %add3A_167 = arith.constant 16384 : i32
          %add3A_168 = vector.broadcast %add3A_167 : i32 to vector<16xi32>
          %add3A_169 = arith.addi %add3A_168, %iota3A : vector<16xi32>
          %select_n3A_170 = arith.select %eq3A_144, %and3A_160, %add3A_169 : vector<16xi1>, vector<16xi32>
          %swap3A_171 = arith.index_cast %rem3A_161 : i32 to index
          %swap3A_172 = arith.constant 0 : index
          %swap3A_173 = tpu.vector_load %arg12[%swap3A_171, %swap3A_172] {strides = array<i32>} : memref<2x16xi32, #tpu.memory_space<vmem>>, vector<16xi32>,
          tpu.vector_store %arg12[%swap3A_171, %swap3A_172], %select_n3A_170 {strides = array<i32>} : memref<2x16xi32, #tpu.memory_space<vmem>>, vector<16xi32>,
          %scan3A_174 = arith.constant 0 : i32
          %scan3A_175 = arith.constant 0 : i32
          %scan3A_176 = arith.constant 64 : i32
          %scan3A_177 = arith.addi %scan3A_175, %scan3A_176 : i32
          %scan3A_178 = arith.constant 1 : i32
          %scan3A_179 = scf.for %scan3A_190 = %scan3A_175 to %scan3A_177 step %scan3A_178 iter_args(%scan3A_191 = %scan3A_174) -> (i32)  : i32 {
            %broadcast_in_dim3A_192 = arith.constant 0 : i32
            %broadcast_in_dim3A_193 = vector.broadcast %broadcast_in_dim3A_192 : i32 to vector<16xi32>
            %broadcast_in_dim3A_194 = vector.broadcast %scan3A_190 : i32 to vector<16xi32>
            %gather3A = tpu.vector_load_idx %arg10[%broadcast_in_dim3A_193, %broadcast_in_dim3A_194, %and3A_157] : memref<2x64x512xf32, #tpu.memory_space<vmem>>[vector<16xi32>, vector<16xi32>, vector<16xi32>], vector<16xf32>,
            %broadcast_in_dim3A_195 = vector.broadcast %rem3A_161 : i32 to vector<16xi32>
            %broadcast_in_dim3A_196 = vector.broadcast %scan3A_190 : i32 to vector<16xi32>
            tpu.vector_store_idx %arg11[%broadcast_in_dim3A_195, %iota3A, %broadcast_in_dim3A_196], %gather3A : memref<2x16x128xf32, #tpu.memory_space<vmem>>[vector<16xi32>, vector<16xi32>, vector<16xi32>], vector<16xf32>,
            %scan3A_197 = arith.constant 0 : i32
            scf.yield %scan3A_197 : i32
          }
          %scan3A_180 = arith.constant 64 : i32
          %dma_start3A = arith.constant 0 : i32
          %dma_start3A_181 = arith.constant 0 : i32
          %dma_start3A_182 = tpu.memref_slice %arg11[%rem3A_161, %dma_start3A, %dma_start3A_181] : memref<2x16x128xf32, #tpu.memory_space<vmem>> -> memref<1x16x128xf32, #tpu.memory_space<vmem>>
          %dma_start3A_183 = tpu.memref_squeeze %dma_start3A_182 : memref<1x16x128xf32, #tpu.memory_space<vmem>> -> memref<16x128xf32, #tpu.memory_space<vmem>>
          %dma_start3A_184 = arith.constant 0 : i32
          %dma_start3A_185 = tpu.memref_slice %arg12[%rem3A_161, %dma_start3A_184] : memref<2x16xi32, #tpu.memory_space<vmem>> -> memref<1x16xi32, #tpu.memory_space<vmem>>
          %dma_start3A_186 = tpu.memref_squeeze %dma_start3A_185 : memref<1x16xi32, #tpu.memory_space<vmem>> -> memref<16xi32, #tpu.memory_space<vmem>>
          %dma_start3A_187 = arith.constant 0 : i32
          %dma_start3A_188 = arith.constant 0 : i32
          %dma_start3A_189 = tpu.memref_slice %arg6[%dma_start3A_187, %dma_start3A_188] : memref<16400x128xf32, #tpu.memory_space<hbm>> -> memref<16400x128xf32, #tpu.memory_space<hbm>>
          tpu.enqueue_indirect_dma source(%dma_start3A_183 : memref<16x128xf32, #tpu.memory_space<vmem>>) target(%dma_start3A_189 : memref<16400x128xf32, #tpu.memory_space<hbm>>) offsets(%dma_start3A_186 : memref<16xi32, #tpu.memory_space<vmem>>) semaphore(%arg15 : memref<!tpu.dma_semaphore, #tpu.memory_space<semaphore_mem>>)
        } else {
        }
        %gt3A_149 = arith.constant 0 : i32
        %gt3A_150 = arith.cmpi sgt, %squeeze3A, %gt3A_149 : i32
        %add3A_151 = arith.constant 1 : i32
        %add3A_152 = arith.addi %while3A_137, %add3A_151 : i32
        %select_n3A = arith.select %gt3A_150, %add3A_152, %while3A_137 : i32
        scf.yield %select_n3A : i32
      }
      %while3A_101 = arith.constant 1 : i32
      %while3A_102 = scf.for %while3A_136 = %while3A_98 to %while3A_94 step %while3A_101 iter_args(%while3A_137 = %while3A_100) -> (i32)  : i32 {
        %mul3A_138 = arith.constant 16 : i32
        %mul3A_139 = arith.muli %while3A_136, %mul3A_138 : i32
        %get3A = arith.index_cast %mul3A_139 : i32 to index
        %get3A_140 = tpu.vector_load %arg9[%get3A] {strides = array<i32>} : memref<16400xi32, #tpu.memory_space<vmem>>, vector<16xi32>,
        %shift_right_logical3A_141 = arith.constant 23 : i32
        %shift_right_logical3A_142 = vector.broadcast %shift_right_logical3A_141 : i32 to vector<16xi32>
        %shift_right_logical3A_143 = arith.shrui %get3A_140, %shift_right_logical3A_142 : vector<16xi32>
        %eq3A = vector.broadcast %mul3A_74 : i32 to vector<16xi32>
        %eq3A_144 = arith.cmpi eq, %shift_right_logical3A_143, %eq3A : vector<16xi32>
        %all_reduce_population_count3A = tpu.all_reduce %eq3A_144 {dim = 0 : i64, kind = #tpu.reduction_kind<sum>} : vector<16xi1> -> vector<16xi32>
        %slice3A = vector.extract_strided_slice %all_reduce_population_count3A {offsets = [0], sizes = [1], strides = [1]} : vector<16xi32> to vector<1xi32>
        %squeeze3A = vector.extract %slice3A[0] : i32 from vector<1xi32>
        %gt3A = arith.constant 0 : i32
        %gt3A_145 = arith.cmpi sgt, %squeeze3A, %gt3A : i32
        %convert_element_type3A_146 = arith.extui %gt3A_145 : i1 to i32
        %cond3A_147 = arith.constant 0 : i32
        %cond3A_148 = arith.cmpi ne, %convert_element_type3A_146, %cond3A_147 : i32
        scf.if %cond3A_148 {
          %shift_right_logical3A_153 = arith.constant 14 : i32
          %shift_right_logical3A_154 = vector.broadcast %shift_right_logical3A_153 : i32 to vector<16xi32>
          %shift_right_logical3A_155 = arith.shrui %get3A_140, %shift_right_logical3A_154 : vector<16xi32>
          %and3A = arith.constant 511 : i32
          %and3A_156 = vector.broadcast %and3A : i32 to vector<16xi32>
          %and3A_157 = arith.andi %shift_right_logical3A_155, %and3A_156 : vector<16xi32>
          %and3A_158 = arith.constant 16383 : i32
          %and3A_159 = vector.broadcast %and3A_158 : i32 to vector<16xi32>
          %and3A_160 = arith.andi %get3A_140, %and3A_159 : vector<16xi32>
          %rem3A = arith.constant 2 : i32
          %rem3A_161 = arith.remsi %while3A_137, %rem3A : i32
          %ge3A_162 = arith.constant 2 : i32
          %ge3A_163 = arith.cmpi sge, %while3A_137, %ge3A_162 : i32
          %convert_element_type3A_164 = arith.extui %ge3A_163 : i1 to i32
          %cond3A_165 = arith.constant 0 : i32
          %cond3A_166 = arith.cmpi ne, %convert_element_type3A_164, %cond3A_165 : i32
          scf.if %cond3A_166 {
            %dma_wait3A = arith.constant 0 : i32
            %dma_wait3A_190 = arith.constant 0 : i32
            %dma_wait3A_191 = arith.constant 0 : i32
            %dma_wait3A_192 = tpu.memref_slice %arg11[%dma_wait3A, %dma_wait3A_190, %dma_wait3A_191] : memref<2x16x128xf32, #tpu.memory_space<vmem>> -> memref<1x16x128xf32, #tpu.memory_space<vmem>>
            %dma_wait3A_193 = tpu.memref_squeeze %dma_wait3A_192 : memref<1x16x128xf32, #tpu.memory_space<vmem>> -> memref<16x128xf32, #tpu.memory_space<vmem>>
            %dma_wait3A_194 = arith.constant 0 : i32
            %dma_wait3A_195 = arith.constant 0 : i32
            %dma_wait3A_196 = tpu.memref_slice %arg4[%dma_wait3A_194, %dma_wait3A_195] : memref<64x1000000xf32, #tpu.memory_space<hbm>> -> memref<16x128xf32, #tpu.memory_space<hbm>>
            %dma_wait3A_197 = arith.constant 0 : i32
            %dma_wait3A_198 = arith.constant 0 : i32
            %dma_wait3A_199 = tpu.memref_slice %arg11[%dma_wait3A, %dma_wait3A_197, %dma_wait3A_198] : memref<2x16x128xf32, #tpu.memory_space<vmem>> -> memref<1x16x128xf32, #tpu.memory_space<vmem>>
            %dma_wait3A_200 = tpu.memref_squeeze %dma_wait3A_199 : memref<1x16x128xf32, #tpu.memory_space<vmem>> -> memref<16x128xf32, #tpu.memory_space<vmem>>
            %dma_wait3A_201 = arith.constant 0 : i32
            %dma_wait3A_202 = arith.constant 0 : i32
            %dma_wait3A_203 = tpu.memref_slice %arg4[%dma_wait3A_201, %dma_wait3A_202] : memref<64x1000000xf32, #tpu.memory_space<hbm>> -> memref<16x128xf32, #tpu.memory_space<hbm>>
            tpu.wait_dma2 semaphore(%arg15 : memref<!tpu.dma_semaphore, #tpu.memory_space<semaphore_mem>>) src(%dma_wait3A_203 : memref<16x128xf32, #tpu.memory_space<hbm>>) dst(%dma_wait3A_200 : memref<16x128xf32, #tpu.memory_space<vmem>>)
          } else {
          }
          %add3A_167 = arith.constant 16384 : i32
          %add3A_168 = vector.broadcast %add3A_167 : i32 to vector<16xi32>
          %add3A_169 = arith.addi %add3A_168, %iota3A : vector<16xi32>
          %select_n3A_170 = arith.select %eq3A_144, %and3A_160, %add3A_169 : vector<16xi1>, vector<16xi32>
          %swap3A_171 = arith.index_cast %rem3A_161 : i32 to index
          %swap3A_172 = arith.constant 0 : index
          %swap3A_173 = tpu.vector_load %arg12[%swap3A_171, %swap3A_172] {strides = array<i32>} : memref<2x16xi32, #tpu.memory_space<vmem>>, vector<16xi32>,
          tpu.vector_store %arg12[%swap3A_171, %swap3A_172], %select_n3A_170 {strides = array<i32>} : memref<2x16xi32, #tpu.memory_space<vmem>>, vector<16xi32>,
          %scan3A_174 = arith.constant 0 : i32
          %scan3A_175 = arith.constant 0 : i32
          %scan3A_176 = arith.constant 64 : i32
          %scan3A_177 = arith.addi %scan3A_175, %scan3A_176 : i32
          %scan3A_178 = arith.constant 1 : i32
          %scan3A_179 = scf.for %scan3A_190 = %scan3A_175 to %scan3A_177 step %scan3A_178 iter_args(%scan3A_191 = %scan3A_174) -> (i32)  : i32 {
            %broadcast_in_dim3A_192 = arith.constant 0 : i32
            %broadcast_in_dim3A_193 = vector.broadcast %broadcast_in_dim3A_192 : i32 to vector<16xi32>
            %broadcast_in_dim3A_194 = vector.broadcast %scan3A_190 : i32 to vector<16xi32>
            %gather3A = tpu.vector_load_idx %arg10[%broadcast_in_dim3A_193, %broadcast_in_dim3A_194, %and3A_157] : memref<2x64x512xf32, #tpu.memory_space<vmem>>[vector<16xi32>, vector<16xi32>, vector<16xi32>], vector<16xf32>,
            %broadcast_in_dim3A_195 = vector.broadcast %rem3A_161 : i32 to vector<16xi32>
            %broadcast_in_dim3A_196 = vector.broadcast %scan3A_190 : i32 to vector<16xi32>
            tpu.vector_store_idx %arg11[%broadcast_in_dim3A_195, %iota3A, %broadcast_in_dim3A_196], %gather3A : memref<2x16x128xf32, #tpu.memory_space<vmem>>[vector<16xi32>, vector<16xi32>, vector<16xi32>], vector<16xf32>,
            %scan3A_197 = arith.constant 0 : i32
            scf.yield %scan3A_197 : i32
          }
          %scan3A_180 = arith.constant 64 : i32
          %dma_start3A = arith.constant 0 : i32
          %dma_start3A_181 = arith.constant 0 : i32
          %dma_start3A_182 = tpu.memref_slice %arg11[%rem3A_161, %dma_start3A, %dma_start3A_181] : memref<2x16x128xf32, #tpu.memory_space<vmem>> -> memref<1x16x128xf32, #tpu.memory_space<vmem>>
          %dma_start3A_183 = tpu.memref_squeeze %dma_start3A_182 : memref<1x16x128xf32, #tpu.memory_space<vmem>> -> memref<16x128xf32, #tpu.memory_space<vmem>>
          %dma_start3A_184 = arith.constant 0 : i32
          %dma_start3A_185 = tpu.memref_slice %arg12[%rem3A_161, %dma_start3A_184] : memref<2x16xi32, #tpu.memory_space<vmem>> -> memref<1x16xi32, #tpu.memory_space<vmem>>
          %dma_start3A_186 = tpu.memref_squeeze %dma_start3A_185 : memref<1x16xi32, #tpu.memory_space<vmem>> -> memref<16xi32, #tpu.memory_space<vmem>>
          %dma_start3A_187 = arith.constant 0 : i32
          %dma_start3A_188 = arith.constant 0 : i32
          %dma_start3A_189 = tpu.memref_slice %arg6[%dma_start3A_187, %dma_start3A_188] : memref<16400x128xf32, #tpu.memory_space<hbm>> -> memref<16400x128xf32, #tpu.memory_space<hbm>>
          tpu.enqueue_indirect_dma source(%dma_start3A_183 : memref<16x128xf32, #tpu.memory_space<vmem>>) target(%dma_start3A_189 : memref<16400x128xf32, #tpu.memory_space<hbm>>) offsets(%dma_start3A_186 : memref<16xi32, #tpu.memory_space<vmem>>) semaphore(%arg15 : memref<!tpu.dma_semaphore, #tpu.memory_space<semaphore_mem>>)
        } else {
        }
        %gt3A_149 = arith.constant 0 : i32
        %gt3A_150 = arith.cmpi sgt, %squeeze3A, %gt3A_149 : i32
        %add3A_151 = arith.constant 1 : i32
        %add3A_152 = arith.addi %while3A_137, %add3A_151 : i32
        %select_n3A = arith.select %gt3A_150, %add3A_152, %while3A_137 : i32
        scf.yield %select_n3A : i32
      }
      %mul3A_103 = arith.constant 2 : i32
      %mul3A_104 = arith.muli %mul3A_103, %scan3A_71 : i32
      %add3A_105 = arith.constant 1 : i32
      %add3A_106 = arith.addi %mul3A_104, %add3A_105 : i32
      %add3A_107 = arith.constant 1 : i32
      %add3A_108 = arith.addi %add3A_106, %add3A_107 : i32
      %mul3A_109 = arith.constant 32 : i32
      %mul3A_110 = arith.muli %mul3A_109, %add3A_108 : i32
      %add3A_111 = arith.addi %add3A, %mul3A_110 : i32
      %lt3A_112 = arith.constant 1953 : i32
      %lt3A_113 = arith.cmpi slt, %add3A_111, %lt3A_112 : i32
      %convert_element_type3A_114 = arith.extui %lt3A_113 : i1 to i32
      %cond3A_115 = arith.constant 0 : i32
      %cond3A_116 = arith.cmpi ne, %convert_element_type3A_114, %cond3A_115 : i32
      scf.if %cond3A_116 {
        %mul3A_136 = arith.constant 512 : i32
        %mul3A_137 = arith.muli %add3A_111, %mul3A_136 : i32
        %dma_start3A = arith.constant 0 : i32
        %dma_start3A_138 = arith.constant 0 : i32
        %dma_start3A_139 = arith.constant 0 : i32
        %dma_start3A_140 = tpu.memref_slice %arg10[%dma_start3A, %dma_start3A_138, %dma_start3A_139] : memref<2x64x512xf32, #tpu.memory_space<vmem>> -> memref<1x64x512xf32, #tpu.memory_space<vmem>>
        %dma_start3A_141 = tpu.memref_squeeze %dma_start3A_140 : memref<1x64x512xf32, #tpu.memory_space<vmem>> -> memref<64x512xf32, #tpu.memory_space<vmem>>
        %dma_start3A_142 = arith.constant 0 : i32
        %dma_start3A_143 = tpu.memref_slice %arg4[%dma_start3A_142, %mul3A_137] : memref<64x1000000xf32, #tpu.memory_space<hbm>> -> memref<64x512xf32, #tpu.memory_space<hbm>>
        %dma_start3A_144 = arith.constant 0 : i32
        %dma_start3A_145 = arith.constant 0 : i32
        %dma_start3A_146 = tpu.memref_slice %arg10[%dma_start3A, %dma_start3A_144, %dma_start3A_145] : memref<2x64x512xf32, #tpu.memory_space<vmem>> -> memref<1x64x512xf32, #tpu.memory_space<vmem>>
        %dma_start3A_147 = tpu.memref_squeeze %dma_start3A_146 : memref<1x64x512xf32, #tpu.memory_space<vmem>> -> memref<64x512xf32, #tpu.memory_space<vmem>>
        %dma_start3A_148 = arith.constant 0 : i32
        %dma_start3A_149 = tpu.memref_slice %arg4[%dma_start3A_148, %mul3A_137] : memref<64x1000000xf32, #tpu.memory_space<hbm>> -> memref<64x512xf32, #tpu.memory_space<hbm>>
        tpu.enqueue_dma source(%dma_start3A_149 : memref<64x512xf32, #tpu.memory_space<hbm>>) target(%dma_start3A_147 : memref<64x512xf32, #tpu.memory_space<vmem>>) target_semaphore(%arg13 : memref<!tpu.dma_semaphore, #tpu.memory_space<semaphore_mem>>)
      } else {
      }
      %mul3A_117 = arith.constant 32 : i32
      %mul3A_118 = arith.muli %mul3A_117, %add3A_106 : i32
      %add3A_119 = arith.addi %add3A, %mul3A_118 : i32
      %lt3A_120 = arith.constant 1953 : i32
      %lt3A_121 = arith.cmpi slt, %add3A_119, %lt3A_120 : i32
      %convert_element_type3A_122 = arith.extui %lt3A_121 : i1 to i32
      %cond3A_123 = arith.constant 0 : i32
      %cond3A_124 = arith.cmpi ne, %convert_element_type3A_122, %cond3A_123 : i32
      scf.if %cond3A_124 {
        %dma_wait3A = arith.constant 1 : i32
        %dma_wait3A_136 = arith.constant 0 : i32
        %dma_wait3A_137 = arith.constant 0 : i32
        %dma_wait3A_138 = tpu.memref_slice %arg10[%dma_wait3A, %dma_wait3A_136, %dma_wait3A_137] : memref<2x64x512xf32, #tpu.memory_space<vmem>> -> memref<1x64x512xf32, #tpu.memory_space<vmem>>
        %dma_wait3A_139 = tpu.memref_squeeze %dma_wait3A_138 : memref<1x64x512xf32, #tpu.memory_space<vmem>> -> memref<64x512xf32, #tpu.memory_space<vmem>>
        %dma_wait3A_140 = arith.constant 0 : i32
        %dma_wait3A_141 = arith.constant 0 : i32
        %dma_wait3A_142 = tpu.memref_slice %arg4[%dma_wait3A_140, %dma_wait3A_141] : memref<64x1000000xf32, #tpu.memory_space<hbm>> -> memref<64x512xf32, #tpu.memory_space<hbm>>
        %dma_wait3A_143 = arith.constant 0 : i32
        %dma_wait3A_144 = arith.constant 0 : i32
        %dma_wait3A_145 = tpu.memref_slice %arg10[%dma_wait3A, %dma_wait3A_143, %dma_wait3A_144] : memref<2x64x512xf32, #tpu.memory_space<vmem>> -> memref<1x64x512xf32, #tpu.memory_space<vmem>>
        %dma_wait3A_146 = tpu.memref_squeeze %dma_wait3A_145 : memref<1x64x512xf32, #tpu.memory_space<vmem>> -> memref<64x512xf32, #tpu.memory_space<vmem>>
        %dma_wait3A_147 = arith.constant 0 : i32
        %dma_wait3A_148 = arith.constant 0 : i32
        %dma_wait3A_149 = tpu.memref_slice %arg4[%dma_wait3A_147, %dma_wait3A_148] : memref<64x1000000xf32, #tpu.memory_space<hbm>> -> memref<64x512xf32, #tpu.memory_space<hbm>>
        tpu.wait_dma2 semaphore(%arg14 : memref<!tpu.dma_semaphore, #tpu.memory_space<semaphore_mem>>) src(%dma_wait3A_149 : memref<64x512xf32, #tpu.memory_space<hbm>>) dst(%dma_wait3A_146 : memref<64x512xf32, #tpu.memory_space<vmem>>)
      } else {
      }
      %while3A_125 = arith.constant 0 : i32
      %while3A_126 = arith.subi %shift_right_logical3A_11, %while3A_125 : i32
      %while3A_127 = arith.addi %while3A_125, %while3A_126 : i32
      %while3A_128 = arith.constant 1 : i32
      %while3A_129 = arith.divsi %while3A_126, %while3A_128 : i32
      %while3A_130 = arith.muli %while3A_129, %while3A_128 : i32
      %while3A_131 = arith.addi %while3A_125, %while3A_130 : i32
      %while3A_132 = arith.constant 1 : i32
      %while3A_133 = scf.for %while3A_136 = %while3A_125 to %while3A_131 step %while3A_132 iter_args(%while3A_137 = %while3A_102) -> (i32)  : i32 {
        %mul3A_138 = arith.constant 16 : i32
        %mul3A_139 = arith.muli %while3A_136, %mul3A_138 : i32
        %get3A = arith.index_cast %mul3A_139 : i32 to index
        %get3A_140 = tpu.vector_load %arg9[%get3A] {strides = array<i32>} : memref<16400xi32, #tpu.memory_space<vmem>>, vector<16xi32>,
        %shift_right_logical3A_141 = arith.constant 23 : i32
        %shift_right_logical3A_142 = vector.broadcast %shift_right_logical3A_141 : i32 to vector<16xi32>
        %shift_right_logical3A_143 = arith.shrui %get3A_140, %shift_right_logical3A_142 : vector<16xi32>
        %eq3A = vector.broadcast %add3A_106 : i32 to vector<16xi32>
        %eq3A_144 = arith.cmpi eq, %shift_right_logical3A_143, %eq3A : vector<16xi32>
        %all_reduce_population_count3A = tpu.all_reduce %eq3A_144 {dim = 0 : i64, kind = #tpu.reduction_kind<sum>} : vector<16xi1> -> vector<16xi32>
        %slice3A = vector.extract_strided_slice %all_reduce_population_count3A {offsets = [0], sizes = [1], strides = [1]} : vector<16xi32> to vector<1xi32>
        %squeeze3A = vector.extract %slice3A[0] : i32 from vector<1xi32>
        %gt3A = arith.constant 0 : i32
        %gt3A_145 = arith.cmpi sgt, %squeeze3A, %gt3A : i32
        %convert_element_type3A_146 = arith.extui %gt3A_145 : i1 to i32
        %cond3A_147 = arith.constant 0 : i32
        %cond3A_148 = arith.cmpi ne, %convert_element_type3A_146, %cond3A_147 : i32
        scf.if %cond3A_148 {
          %shift_right_logical3A_153 = arith.constant 14 : i32
          %shift_right_logical3A_154 = vector.broadcast %shift_right_logical3A_153 : i32 to vector<16xi32>
          %shift_right_logical3A_155 = arith.shrui %get3A_140, %shift_right_logical3A_154 : vector<16xi32>
          %and3A = arith.constant 511 : i32
          %and3A_156 = vector.broadcast %and3A : i32 to vector<16xi32>
          %and3A_157 = arith.andi %shift_right_logical3A_155, %and3A_156 : vector<16xi32>
          %and3A_158 = arith.constant 16383 : i32
          %and3A_159 = vector.broadcast %and3A_158 : i32 to vector<16xi32>
          %and3A_160 = arith.andi %get3A_140, %and3A_159 : vector<16xi32>
          %rem3A = arith.constant 2 : i32
          %rem3A_161 = arith.remsi %while3A_137, %rem3A : i32
          %ge3A_162 = arith.constant 2 : i32
          %ge3A_163 = arith.cmpi sge, %while3A_137, %ge3A_162 : i32
          %convert_element_type3A_164 = arith.extui %ge3A_163 : i1 to i32
          %cond3A_165 = arith.constant 0 : i32
          %cond3A_166 = arith.cmpi ne, %convert_element_type3A_164, %cond3A_165 : i32
          scf.if %cond3A_166 {
            %dma_wait3A = arith.constant 0 : i32
            %dma_wait3A_190 = arith.constant 0 : i32
            %dma_wait3A_191 = arith.constant 0 : i32
            %dma_wait3A_192 = tpu.memref_slice %arg11[%dma_wait3A, %dma_wait3A_190, %dma_wait3A_191] : memref<2x16x128xf32, #tpu.memory_space<vmem>> -> memref<1x16x128xf32, #tpu.memory_space<vmem>>
            %dma_wait3A_193 = tpu.memref_squeeze %dma_wait3A_192 : memref<1x16x128xf32, #tpu.memory_space<vmem>> -> memref<16x128xf32, #tpu.memory_space<vmem>>
            %dma_wait3A_194 = arith.constant 0 : i32
            %dma_wait3A_195 = arith.constant 0 : i32
            %dma_wait3A_196 = tpu.memref_slice %arg4[%dma_wait3A_194, %dma_wait3A_195] : memref<64x1000000xf32, #tpu.memory_space<hbm>> -> memref<16x128xf32, #tpu.memory_space<hbm>>
            %dma_wait3A_197 = arith.constant 0 : i32
            %dma_wait3A_198 = arith.constant 0 : i32
            %dma_wait3A_199 = tpu.memref_slice %arg11[%dma_wait3A, %dma_wait3A_197, %dma_wait3A_198] : memref<2x16x128xf32, #tpu.memory_space<vmem>> -> memref<1x16x128xf32, #tpu.memory_space<vmem>>
            %dma_wait3A_200 = tpu.memref_squeeze %dma_wait3A_199 : memref<1x16x128xf32, #tpu.memory_space<vmem>> -> memref<16x128xf32, #tpu.memory_space<vmem>>
            %dma_wait3A_201 = arith.constant 0 : i32
            %dma_wait3A_202 = arith.constant 0 : i32
            %dma_wait3A_203 = tpu.memref_slice %arg4[%dma_wait3A_201, %dma_wait3A_202] : memref<64x1000000xf32, #tpu.memory_space<hbm>> -> memref<16x128xf32, #tpu.memory_space<hbm>>
            tpu.wait_dma2 semaphore(%arg15 : memref<!tpu.dma_semaphore, #tpu.memory_space<semaphore_mem>>) src(%dma_wait3A_203 : memref<16x128xf32, #tpu.memory_space<hbm>>) dst(%dma_wait3A_200 : memref<16x128xf32, #tpu.memory_space<vmem>>)
          } else {
          }
          %add3A_167 = arith.constant 16384 : i32
          %add3A_168 = vector.broadcast %add3A_167 : i32 to vector<16xi32>
          %add3A_169 = arith.addi %add3A_168, %iota3A : vector<16xi32>
          %select_n3A_170 = arith.select %eq3A_144, %and3A_160, %add3A_169 : vector<16xi1>, vector<16xi32>
          %swap3A_171 = arith.index_cast %rem3A_161 : i32 to index
          %swap3A_172 = arith.constant 0 : index
          %swap3A_173 = tpu.vector_load %arg12[%swap3A_171, %swap3A_172] {strides = array<i32>} : memref<2x16xi32, #tpu.memory_space<vmem>>, vector<16xi32>,
          tpu.vector_store %arg12[%swap3A_171, %swap3A_172], %select_n3A_170 {strides = array<i32>} : memref<2x16xi32, #tpu.memory_space<vmem>>, vector<16xi32>,
          %scan3A_174 = arith.constant 0 : i32
          %scan3A_175 = arith.constant 0 : i32
          %scan3A_176 = arith.constant 64 : i32
          %scan3A_177 = arith.addi %scan3A_175, %scan3A_176 : i32
          %scan3A_178 = arith.constant 1 : i32
          %scan3A_179 = scf.for %scan3A_190 = %scan3A_175 to %scan3A_177 step %scan3A_178 iter_args(%scan3A_191 = %scan3A_174) -> (i32)  : i32 {
            %broadcast_in_dim3A_192 = arith.constant 1 : i32
            %broadcast_in_dim3A_193 = vector.broadcast %broadcast_in_dim3A_192 : i32 to vector<16xi32>
            %broadcast_in_dim3A_194 = vector.broadcast %scan3A_190 : i32 to vector<16xi32>
            %gather3A = tpu.vector_load_idx %arg10[%broadcast_in_dim3A_193, %broadcast_in_dim3A_194, %and3A_157] : memref<2x64x512xf32, #tpu.memory_space<vmem>>[vector<16xi32>, vector<16xi32>, vector<16xi32>], vector<16xf32>,
            %broadcast_in_dim3A_195 = vector.broadcast %rem3A_161 : i32 to vector<16xi32>
            %broadcast_in_dim3A_196 = vector.broadcast %scan3A_190 : i32 to vector<16xi32>
            tpu.vector_store_idx %arg11[%broadcast_in_dim3A_195, %iota3A, %broadcast_in_dim3A_196], %gather3A : memref<2x16x128xf32, #tpu.memory_space<vmem>>[vector<16xi32>, vector<16xi32>, vector<16xi32>], vector<16xf32>,
            %scan3A_197 = arith.constant 0 : i32
            scf.yield %scan3A_197 : i32
          }
          %scan3A_180 = arith.constant 64 : i32
          %dma_start3A = arith.constant 0 : i32
          %dma_start3A_181 = arith.constant 0 : i32
          %dma_start3A_182 = tpu.memref_slice %arg11[%rem3A_161, %dma_start3A, %dma_start3A_181] : memref<2x16x128xf32, #tpu.memory_space<vmem>> -> memref<1x16x128xf32, #tpu.memory_space<vmem>>
          %dma_start3A_183 = tpu.memref_squeeze %dma_start3A_182 : memref<1x16x128xf32, #tpu.memory_space<vmem>> -> memref<16x128xf32, #tpu.memory_space<vmem>>
          %dma_start3A_184 = arith.constant 0 : i32
          %dma_start3A_185 = tpu.memref_slice %arg12[%rem3A_161, %dma_start3A_184] : memref<2x16xi32, #tpu.memory_space<vmem>> -> memref<1x16xi32, #tpu.memory_space<vmem>>
          %dma_start3A_186 = tpu.memref_squeeze %dma_start3A_185 : memref<1x16xi32, #tpu.memory_space<vmem>> -> memref<16xi32, #tpu.memory_space<vmem>>
          %dma_start3A_187 = arith.constant 0 : i32
          %dma_start3A_188 = arith.constant 0 : i32
          %dma_start3A_189 = tpu.memref_slice %arg6[%dma_start3A_187, %dma_start3A_188] : memref<16400x128xf32, #tpu.memory_space<hbm>> -> memref<16400x128xf32, #tpu.memory_space<hbm>>
          tpu.enqueue_indirect_dma source(%dma_start3A_183 : memref<16x128xf32, #tpu.memory_space<vmem>>) target(%dma_start3A_189 : memref<16400x128xf32, #tpu.memory_space<hbm>>) offsets(%dma_start3A_186 : memref<16xi32, #tpu.memory_space<vmem>>) semaphore(%arg15 : memref<!tpu.dma_semaphore, #tpu.memory_space<semaphore_mem>>)
        } else {
        }
        %gt3A_149 = arith.constant 0 : i32
        %gt3A_150 = arith.cmpi sgt, %squeeze3A, %gt3A_149 : i32
        %add3A_151 = arith.constant 1 : i32
        %add3A_152 = arith.addi %while3A_137, %add3A_151 : i32
        %select_n3A = arith.select %gt3A_150, %add3A_152, %while3A_137 : i32
        scf.yield %select_n3A : i32
      }
      %while3A_134 = arith.constant 1 : i32
      %while3A_135 = scf.for %while3A_136 = %while3A_131 to %while3A_127 step %while3A_134 iter_args(%while3A_137 = %while3A_133) -> (i32)  : i32 {
        %mul3A_138 = arith.constant 16 : i32
        %mul3A_139 = arith.muli %while3A_136, %mul3A_138 : i32
        %get3A = arith.index_cast %mul3A_139 : i32 to index
        %get3A_140 = tpu.vector_load %arg9[%get3A] {strides = array<i32>} : memref<16400xi32, #tpu.memory_space<vmem>>, vector<16xi32>,
        %shift_right_logical3A_141 = arith.constant 23 : i32
        %shift_right_logical3A_142 = vector.broadcast %shift_right_logical3A_141 : i32 to vector<16xi32>
        %shift_right_logical3A_143 = arith.shrui %get3A_140, %shift_right_logical3A_142 : vector<16xi32>
        %eq3A = vector.broadcast %add3A_106 : i32 to vector<16xi32>
        %eq3A_144 = arith.cmpi eq, %shift_right_logical3A_143, %eq3A : vector<16xi32>
        %all_reduce_population_count3A = tpu.all_reduce %eq3A_144 {dim = 0 : i64, kind = #tpu.reduction_kind<sum>} : vector<16xi1> -> vector<16xi32>
        %slice3A = vector.extract_strided_slice %all_reduce_population_count3A {offsets = [0], sizes = [1], strides = [1]} : vector<16xi32> to vector<1xi32>
        %squeeze3A = vector.extract %slice3A[0] : i32 from vector<1xi32>
        %gt3A = arith.constant 0 : i32
        %gt3A_145 = arith.cmpi sgt, %squeeze3A, %gt3A : i32
        %convert_element_type3A_146 = arith.extui %gt3A_145 : i1 to i32
        %cond3A_147 = arith.constant 0 : i32
        %cond3A_148 = arith.cmpi ne, %convert_element_type3A_146, %cond3A_147 : i32
        scf.if %cond3A_148 {
          %shift_right_logical3A_153 = arith.constant 14 : i32
          %shift_right_logical3A_154 = vector.broadcast %shift_right_logical3A_153 : i32 to vector<16xi32>
          %shift_right_logical3A_155 = arith.shrui %get3A_140, %shift_right_logical3A_154 : vector<16xi32>
          %and3A = arith.constant 511 : i32
          %and3A_156 = vector.broadcast %and3A : i32 to vector<16xi32>
          %and3A_157 = arith.andi %shift_right_logical3A_155, %and3A_156 : vector<16xi32>
          %and3A_158 = arith.constant 16383 : i32
          %and3A_159 = vector.broadcast %and3A_158 : i32 to vector<16xi32>
          %and3A_160 = arith.andi %get3A_140, %and3A_159 : vector<16xi32>
          %rem3A = arith.constant 2 : i32
          %rem3A_161 = arith.remsi %while3A_137, %rem3A : i32
          %ge3A_162 = arith.constant 2 : i32
          %ge3A_163 = arith.cmpi sge, %while3A_137, %ge3A_162 : i32
          %convert_element_type3A_164 = arith.extui %ge3A_163 : i1 to i32
          %cond3A_165 = arith.constant 0 : i32
          %cond3A_166 = arith.cmpi ne, %convert_element_type3A_164, %cond3A_165 : i32
          scf.if %cond3A_166 {
            %dma_wait3A = arith.constant 0 : i32
            %dma_wait3A_190 = arith.constant 0 : i32
            %dma_wait3A_191 = arith.constant 0 : i32
            %dma_wait3A_192 = tpu.memref_slice %arg11[%dma_wait3A, %dma_wait3A_190, %dma_wait3A_191] : memref<2x16x128xf32, #tpu.memory_space<vmem>> -> memref<1x16x128xf32, #tpu.memory_space<vmem>>
            %dma_wait3A_193 = tpu.memref_squeeze %dma_wait3A_192 : memref<1x16x128xf32, #tpu.memory_space<vmem>> -> memref<16x128xf32, #tpu.memory_space<vmem>>
            %dma_wait3A_194 = arith.constant 0 : i32
            %dma_wait3A_195 = arith.constant 0 : i32
            %dma_wait3A_196 = tpu.memref_slice %arg4[%dma_wait3A_194, %dma_wait3A_195] : memref<64x1000000xf32, #tpu.memory_space<hbm>> -> memref<16x128xf32, #tpu.memory_space<hbm>>
            %dma_wait3A_197 = arith.constant 0 : i32
            %dma_wait3A_198 = arith.constant 0 : i32
            %dma_wait3A_199 = tpu.memref_slice %arg11[%dma_wait3A, %dma_wait3A_197, %dma_wait3A_198] : memref<2x16x128xf32, #tpu.memory_space<vmem>> -> memref<1x16x128xf32, #tpu.memory_space<vmem>>
            %dma_wait3A_200 = tpu.memref_squeeze %dma_wait3A_199 : memref<1x16x128xf32, #tpu.memory_space<vmem>> -> memref<16x128xf32, #tpu.memory_space<vmem>>
            %dma_wait3A_201 = arith.constant 0 : i32
            %dma_wait3A_202 = arith.constant 0 : i32
            %dma_wait3A_203 = tpu.memref_slice %arg4[%dma_wait3A_201, %dma_wait3A_202] : memref<64x1000000xf32, #tpu.memory_space<hbm>> -> memref<16x128xf32, #tpu.memory_space<hbm>>
            tpu.wait_dma2 semaphore(%arg15 : memref<!tpu.dma_semaphore, #tpu.memory_space<semaphore_mem>>) src(%dma_wait3A_203 : memref<16x128xf32, #tpu.memory_space<hbm>>) dst(%dma_wait3A_200 : memref<16x128xf32, #tpu.memory_space<vmem>>)
          } else {
          }
          %add3A_167 = arith.constant 16384 : i32
          %add3A_168 = vector.broadcast %add3A_167 : i32 to vector<16xi32>
          %add3A_169 = arith.addi %add3A_168, %iota3A : vector<16xi32>
          %select_n3A_170 = arith.select %eq3A_144, %and3A_160, %add3A_169 : vector<16xi1>, vector<16xi32>
          %swap3A_171 = arith.index_cast %rem3A_161 : i32 to index
          %swap3A_172 = arith.constant 0 : index
          %swap3A_173 = tpu.vector_load %arg12[%swap3A_171, %swap3A_172] {strides = array<i32>} : memref<2x16xi32, #tpu.memory_space<vmem>>, vector<16xi32>,
          tpu.vector_store %arg12[%swap3A_171, %swap3A_172], %select_n3A_170 {strides = array<i32>} : memref<2x16xi32, #tpu.memory_space<vmem>>, vector<16xi32>,
          %scan3A_174 = arith.constant 0 : i32
          %scan3A_175 = arith.constant 0 : i32
          %scan3A_176 = arith.constant 64 : i32
          %scan3A_177 = arith.addi %scan3A_175, %scan3A_176 : i32
          %scan3A_178 = arith.constant 1 : i32
          %scan3A_179 = scf.for %scan3A_190 = %scan3A_175 to %scan3A_177 step %scan3A_178 iter_args(%scan3A_191 = %scan3A_174) -> (i32)  : i32 {
            %broadcast_in_dim3A_192 = arith.constant 1 : i32
            %broadcast_in_dim3A_193 = vector.broadcast %broadcast_in_dim3A_192 : i32 to vector<16xi32>
            %broadcast_in_dim3A_194 = vector.broadcast %scan3A_190 : i32 to vector<16xi32>
            %gather3A = tpu.vector_load_idx %arg10[%broadcast_in_dim3A_193, %broadcast_in_dim3A_194, %and3A_157] : memref<2x64x512xf32, #tpu.memory_space<vmem>>[vector<16xi32>, vector<16xi32>, vector<16xi32>], vector<16xf32>,
            %broadcast_in_dim3A_195 = vector.broadcast %rem3A_161 : i32 to vector<16xi32>
            %broadcast_in_dim3A_196 = vector.broadcast %scan3A_190 : i32 to vector<16xi32>
            tpu.vector_store_idx %arg11[%broadcast_in_dim3A_195, %iota3A, %broadcast_in_dim3A_196], %gather3A : memref<2x16x128xf32, #tpu.memory_space<vmem>>[vector<16xi32>, vector<16xi32>, vector<16xi32>], vector<16xf32>,
            %scan3A_197 = arith.constant 0 : i32
            scf.yield %scan3A_197 : i32
          }
          %scan3A_180 = arith.constant 64 : i32
          %dma_start3A = arith.constant 0 : i32
          %dma_start3A_181 = arith.constant 0 : i32
          %dma_start3A_182 = tpu.memref_slice %arg11[%rem3A_161, %dma_start3A, %dma_start3A_181] : memref<2x16x128xf32, #tpu.memory_space<vmem>> -> memref<1x16x128xf32, #tpu.memory_space<vmem>>
          %dma_start3A_183 = tpu.memref_squeeze %dma_start3A_182 : memref<1x16x128xf32, #tpu.memory_space<vmem>> -> memref<16x128xf32, #tpu.memory_space<vmem>>
          %dma_start3A_184 = arith.constant 0 : i32
          %dma_start3A_185 = tpu.memref_slice %arg12[%rem3A_161, %dma_start3A_184] : memref<2x16xi32, #tpu.memory_space<vmem>> -> memref<1x16xi32, #tpu.memory_space<vmem>>
          %dma_start3A_186 = tpu.memref_squeeze %dma_start3A_185 : memref<1x16xi32, #tpu.memory_space<vmem>> -> memref<16xi32, #tpu.memory_space<vmem>>
          %dma_start3A_187 = arith.constant 0 : i32
          %dma_start3A_188 = arith.constant 0 : i32
          %dma_start3A_189 = tpu.memref_slice %arg6[%dma_start3A_187, %dma_start3A_188] : memref<16400x128xf32, #tpu.memory_space<hbm>> -> memref<16400x128xf32, #tpu.memory_space<hbm>>
          tpu.enqueue_indirect_dma source(%dma_start3A_183 : memref<16x128xf32, #tpu.memory_space<vmem>>) target(%dma_start3A_189 : memref<16400x128xf32, #tpu.memory_space<hbm>>) offsets(%dma_start3A_186 : memref<16xi32, #tpu.memory_space<vmem>>) semaphore(%arg15 : memref<!tpu.dma_semaphore, #tpu.memory_space<semaphore_mem>>)
        } else {
        }
        %gt3A_149 = arith.constant 0 : i32
        %gt3A_150 = arith.cmpi sgt, %squeeze3A, %gt3A_149 : i32
        %add3A_151 = arith.constant 1 : i32
        %add3A_152 = arith.addi %while3A_137, %add3A_151 : i32
        %select_n3A = arith.select %gt3A_150, %add3A_152, %while3A_137 : i32
        scf.yield %select_n3A : i32
      }
      scf.yield %while3A_135 : i32
    }
    %scan3A_22 = arith.constant 31 : i32
    %ge3A = arith.constant 1 : i32
    %ge3A_23 = arith.cmpi sge, %scan3A_21, %ge3A : i32
    %convert_element_type3A_24 = arith.extui %ge3A_23 : i1 to i32
    %cond3A_25 = arith.constant 0 : i32
    %cond3A_26 = arith.cmpi ne, %convert_element_type3A_24, %cond3A_25 : i32
    scf.if %cond3A_26 {
      %dma_wait3A = arith.constant 0 : i32
      %dma_wait3A_71 = arith.constant 0 : i32
      %dma_wait3A_72 = arith.constant 0 : i32
      %dma_wait3A_73 = tpu.memref_slice %arg11[%dma_wait3A, %dma_wait3A_71, %dma_wait3A_72] : memref<2x16x128xf32, #tpu.memory_space<vmem>> -> memref<1x16x128xf32, #tpu.memory_space<vmem>>
      %dma_wait3A_74 = tpu.memref_squeeze %dma_wait3A_73 : memref<1x16x128xf32, #tpu.memory_space<vmem>> -> memref<16x128xf32, #tpu.memory_space<vmem>>
      %dma_wait3A_75 = arith.constant 0 : i32
      %dma_wait3A_76 = arith.constant 0 : i32
      %dma_wait3A_77 = tpu.memref_slice %arg4[%dma_wait3A_75, %dma_wait3A_76] : memref<64x1000000xf32, #tpu.memory_space<hbm>> -> memref<16x128xf32, #tpu.memory_space<hbm>>
      %dma_wait3A_78 = arith.constant 0 : i32
      %dma_wait3A_79 = arith.constant 0 : i32
      %dma_wait3A_80 = tpu.memref_slice %arg11[%dma_wait3A, %dma_wait3A_78, %dma_wait3A_79] : memref<2x16x128xf32, #tpu.memory_space<vmem>> -> memref<1x16x128xf32, #tpu.memory_space<vmem>>
      %dma_wait3A_81 = tpu.memref_squeeze %dma_wait3A_80 : memref<1x16x128xf32, #tpu.memory_space<vmem>> -> memref<16x128xf32, #tpu.memory_space<vmem>>
      %dma_wait3A_82 = arith.constant 0 : i32
      %dma_wait3A_83 = arith.constant 0 : i32
      %dma_wait3A_84 = tpu.memref_slice %arg4[%dma_wait3A_82, %dma_wait3A_83] : memref<64x1000000xf32, #tpu.memory_space<hbm>> -> memref<16x128xf32, #tpu.memory_space<hbm>>
      tpu.wait_dma2 semaphore(%arg15 : memref<!tpu.dma_semaphore, #tpu.memory_space<semaphore_mem>>) src(%dma_wait3A_84 : memref<16x128xf32, #tpu.memory_space<hbm>>) dst(%dma_wait3A_81 : memref<16x128xf32, #tpu.memory_space<vmem>>)
    } else {
    }
    %ge3A_27 = arith.constant 2 : i32
    %ge3A_28 = arith.cmpi sge, %scan3A_21, %ge3A_27 : i32
    %convert_element_type3A_29 = arith.extui %ge3A_28 : i1 to i32
    %cond3A_30 = arith.constant 0 : i32
    %cond3A_31 = arith.cmpi ne, %convert_element_type3A_29, %cond3A_30 : i32
    scf.if %cond3A_31 {
      %dma_wait3A = arith.constant 0 : i32
      %dma_wait3A_71 = arith.constant 0 : i32
      %dma_wait3A_72 = arith.constant 0 : i32
      %dma_wait3A_73 = tpu.memref_slice %arg11[%dma_wait3A, %dma_wait3A_71, %dma_wait3A_72] : memref<2x16x128xf32, #tpu.memory_space<vmem>> -> memref<1x16x128xf32, #tpu.memory_space<vmem>>
      %dma_wait3A_74 = tpu.memref_squeeze %dma_wait3A_73 : memref<1x16x128xf32, #tpu.memory_space<vmem>> -> memref<16x128xf32, #tpu.memory_space<vmem>>
      %dma_wait3A_75 = arith.constant 0 : i32
      %dma_wait3A_76 = arith.constant 0 : i32
      %dma_wait3A_77 = tpu.memref_slice %arg4[%dma_wait3A_75, %dma_wait3A_76] : memref<64x1000000xf32, #tpu.memory_space<hbm>> -> memref<16x128xf32, #tpu.memory_space<hbm>>
      %dma_wait3A_78 = arith.constant 0 : i32
      %dma_wait3A_79 = arith.constant 0 : i32
      %dma_wait3A_80 = tpu.memref_slice %arg11[%dma_wait3A, %dma_wait3A_78, %dma_wait3A_79] : memref<2x16x128xf32, #tpu.memory_space<vmem>> -> memref<1x16x128xf32, #tpu.memory_space<vmem>>
      %dma_wait3A_81 = tpu.memref_squeeze %dma_wait3A_80 : memref<1x16x128xf32, #tpu.memory_space<vmem>> -> memref<16x128xf32, #tpu.memory_space<vmem>>
      %dma_wait3A_82 = arith.constant 0 : i32
      %dma_wait3A_83 = arith.constant 0 : i32
      %dma_wait3A_84 = tpu.memref_slice %arg4[%dma_wait3A_82, %dma_wait3A_83] : memref<64x1000000xf32, #tpu.memory_space<hbm>> -> memref<16x128xf32, #tpu.memory_space<hbm>>
      tpu.wait_dma2 semaphore(%arg15 : memref<!tpu.dma_semaphore, #tpu.memory_space<semaphore_mem>>) src(%dma_wait3A_84 : memref<16x128xf32, #tpu.memory_space<hbm>>) dst(%dma_wait3A_81 : memref<16x128xf32, #tpu.memory_space<vmem>>)
    } else {
    }
    "tpu.region"() ({
      %run_scoped3A = tpu.sem_alloc : memref<!tpu.dma_semaphore, #tpu.memory_space<semaphore_mem>>
      tpu.enqueue_dma source(%arg3 : memref<16384xi32, #tpu.memory_space<hbm>>) target(%arg8 : memref<16384xi32, #tpu.memory_space<vmem>>) target_semaphore(%run_scoped3A : memref<!tpu.dma_semaphore, #tpu.memory_space<semaphore_mem>>)
      tpu.wait_dma2 semaphore(%run_scoped3A : memref<!tpu.dma_semaphore, #tpu.memory_space<semaphore_mem>>) src(%arg3 : memref<16384xi32, #tpu.memory_space<hbm>>) dst(%arg8 : memref<16384xi32, #tpu.memory_space<vmem>>)
      tpu.yield
    }) : () -> ()
    %scan3A_32 = arith.constant 0 : i32
    %scan3A_33 = arith.constant 0 : i32
    %scan3A_34 = arith.constant 1024 : i32
    %scan3A_35 = arith.addi %scan3A_33, %scan3A_34 : i32
    %scan3A_36 = arith.constant 1 : i32
    %scan3A_37 = scf.for %scan3A_71 = %scan3A_33 to %scan3A_35 step %scan3A_36 iter_args(%scan3A_72 = %scan3A_32) -> (i32)  : i32 {
      %mul3A_73 = arith.constant 16 : i32
      %mul3A_74 = arith.muli %scan3A_71, %mul3A_73 : i32
      %get3A = arith.index_cast %mul3A_74 : i32 to index
      %get3A_75 = tpu.vector_load %arg8[%get3A] {strides = array<i32>} : memref<16384xi32, #tpu.memory_space<vmem>>, vector<16xi32>,
      %shift_right_logical3A_76 = arith.constant 9 : i32
      %shift_right_logical3A_77 = vector.broadcast %shift_right_logical3A_76 : i32 to vector<16xi32>
      %shift_right_logical3A_78 = arith.shrui %get3A_75, %shift_right_logical3A_77 : vector<16xi32>
      %and3A = arith.constant 31 : i32
      %and3A_79 = vector.broadcast %and3A : i32 to vector<16xi32>
      %and3A_80 = arith.andi %shift_right_logical3A_78, %and3A_79 : vector<16xi32>
      %eq3A = vector.broadcast %add3A : i32 to vector<16xi32>
      %eq3A_81 = arith.cmpi eq, %and3A_80, %eq3A : vector<16xi32>
      %lt3A_82 = arith.constant 999936 : i32
      %lt3A_83 = vector.broadcast %lt3A_82 : i32 to vector<16xi32>
      %lt3A_84 = arith.cmpi slt, %get3A_75, %lt3A_83 : vector<16xi32>
      %and3A_85 = arith.andi %eq3A_81, %lt3A_84 : vector<16xi1>
      %shift_right_logical3A_86 = arith.constant 14 : i32
      %shift_right_logical3A_87 = vector.broadcast %shift_right_logical3A_86 : i32 to vector<16xi32>
      %shift_right_logical3A_88 = arith.shrui %get3A_75, %shift_right_logical3A_87 : vector<16xi32>
      %shift_left3A = arith.constant 23 : i32
      %shift_left3A_89 = vector.broadcast %shift_left3A : i32 to vector<16xi32>
      %shift_left3A_90 = arith.shli %shift_right_logical3A_88, %shift_left3A_89 : vector<16xi32>
      %and3A_91 = arith.constant 511 : i32
      %and3A_92 = vector.broadcast %and3A_91 : i32 to vector<16xi32>
      %and3A_93 = arith.andi %get3A_75, %and3A_92 : vector<16xi32>
      %shift_left3A_94 = arith.constant 14 : i32
      %shift_left3A_95 = vector.broadcast %shift_left3A_94 : i32 to vector<16xi32>
      %shift_left3A_96 = arith.shli %and3A_93, %shift_left3A_95 : vector<16xi32>
      %add3A_97 = arith.addi %shift_left3A_90, %shift_left3A_96 : vector<16xi32>
      %mul3A_98 = arith.constant 16 : i32
      %mul3A_99 = arith.muli %scan3A_71, %mul3A_98 : i32
      %add3A_100 = vector.broadcast %mul3A_99 : i32 to vector<16xi32>
      %add3A_101 = arith.addi %add3A_100, %iota3A : vector<16xi32>
      %add3A_102 = arith.addi %add3A_97, %add3A_101 : vector<16xi32>
      %swap3A_103 = arith.index_cast %scan3A_72 : i32 to index
      %swap3A_104 = tpu.vector_load %arg9[%swap3A_103] masked %and3A_85 {strides = array<i32>} : memref<16400xi32, #tpu.memory_space<vmem>>, vector<16xi32>, vector<16xi1>
      tpu.vector_store %arg9[%swap3A_103], %add3A_102 masked %and3A_85 {strides = array<i32>} : memref<16400xi32, #tpu.memory_space<vmem>>, vector<16xi32>, vector<16xi1>
      %all_reduce_population_count3A = tpu.all_reduce %and3A_85 {dim = 0 : i64, kind = #tpu.reduction_kind<sum>} : vector<16xi1> -> vector<16xi32>
      %slice3A = vector.extract_strided_slice %all_reduce_population_count3A {offsets = [0], sizes = [1], strides = [1]} : vector<16xi32> to vector<1xi32>
      %squeeze3A = vector.extract %slice3A[0] : i32 from vector<1xi32>
      %add3A_105 = arith.addi %scan3A_72, %squeeze3A : i32
      scf.yield %add3A_105 : i32
    }
    %scan3A_38 = arith.constant 1024 : i32
    %broadcast_in_dim3A_39 = arith.constant 528482304 : i32
    %broadcast_in_dim3A_40 = vector.broadcast %broadcast_in_dim3A_39 : i32 to vector<16xi32>
    %swap3A_41 = arith.index_cast %scan3A_37 : i32 to index
    %swap3A_42 = tpu.vector_load %arg9[%swap3A_41] {strides = array<i32>} : memref<16400xi32, #tpu.memory_space<vmem>>, vector<16xi32>,
    tpu.vector_store %arg9[%swap3A_41], %broadcast_in_dim3A_40 {strides = array<i32>} : memref<16400xi32, #tpu.memory_space<vmem>>, vector<16xi32>,
    %add3A_43 = arith.constant 15 : i32
    %add3A_44 = arith.addi %scan3A_37, %add3A_43 : i32
    %shift_right_logical3A_45 = arith.constant 4 : i32
    %shift_right_logical3A_46 = arith.shrui %add3A_44, %shift_right_logical3A_45 : i32
    %add3A_47 = arith.constant 0 : i32
    %add3A_48 = arith.addi %add3A, %add3A_47 : i32
    %lt3A_49 = arith.constant 1953 : i32
    %lt3A_50 = arith.cmpi slt, %add3A_48, %lt3A_49 : i32
    %convert_element_type3A_51 = arith.extui %lt3A_50 : i1 to i32
    %cond3A_52 = arith.constant 0 : i32
    %cond3A_53 = arith.cmpi ne, %convert_element_type3A_51, %cond3A_52 : i32
    scf.if %cond3A_53 {
      %mul3A_71 = arith.constant 512 : i32
      %mul3A_72 = arith.muli %add3A_48, %mul3A_71 : i32
      %dma_start3A = arith.constant 0 : i32
      %dma_start3A_73 = arith.constant 0 : i32
      %dma_start3A_74 = arith.constant 0 : i32
      %dma_start3A_75 = tpu.memref_slice %arg10[%dma_start3A, %dma_start3A_73, %dma_start3A_74] : memref<2x64x512xf32, #tpu.memory_space<vmem>> -> memref<1x64x512xf32, #tpu.memory_space<vmem>>
      %dma_start3A_76 = tpu.memref_squeeze %dma_start3A_75 : memref<1x64x512xf32, #tpu.memory_space<vmem>> -> memref<64x512xf32, #tpu.memory_space<vmem>>
      %dma_start3A_77 = arith.constant 0 : i32
      %dma_start3A_78 = tpu.memref_slice %arg5[%dma_start3A_77, %mul3A_72] : memref<64x1000000xf32, #tpu.memory_space<hbm>> -> memref<64x512xf32, #tpu.memory_space<hbm>>
      %dma_start3A_79 = arith.constant 0 : i32
      %dma_start3A_80 = arith.constant 0 : i32
      %dma_start3A_81 = tpu.memref_slice %arg10[%dma_start3A, %dma_start3A_79, %dma_start3A_80] : memref<2x64x512xf32, #tpu.memory_space<vmem>> -> memref<1x64x512xf32, #tpu.memory_space<vmem>>
      %dma_start3A_82 = tpu.memref_squeeze %dma_start3A_81 : memref<1x64x512xf32, #tpu.memory_space<vmem>> -> memref<64x512xf32, #tpu.memory_space<vmem>>
      %dma_start3A_83 = arith.constant 0 : i32
      %dma_start3A_84 = tpu.memref_slice %arg5[%dma_start3A_83, %mul3A_72] : memref<64x1000000xf32, #tpu.memory_space<hbm>> -> memref<64x512xf32, #tpu.memory_space<hbm>>
      tpu.enqueue_dma source(%dma_start3A_84 : memref<64x512xf32, #tpu.memory_space<hbm>>) target(%dma_start3A_82 : memref<64x512xf32, #tpu.memory_space<vmem>>) target_semaphore(%arg13 : memref<!tpu.dma_semaphore, #tpu.memory_space<semaphore_mem>>)
    } else {
    }
    %scan3A_54 = arith.constant 0 : i32
    %scan3A_55 = arith.constant 0 : i32
    %scan3A_56 = arith.constant 31 : i32
    %scan3A_57 = arith.addi %scan3A_55, %scan3A_56 : i32
    %scan3A_58 = arith.constant 1 : i32
    %scan3A_59 = scf.for %scan3A_71 = %scan3A_55 to %scan3A_57 step %scan3A_58 iter_args(%scan3A_72 = %scan3A_54) -> (i32)  : i32 {
      %mul3A_73 = arith.constant 2 : i32
      %mul3A_74 = arith.muli %mul3A_73, %scan3A_71 : i32
      %add3A_75 = arith.constant 1 : i32
      %add3A_76 = arith.addi %mul3A_74, %add3A_75 : i32
      %mul3A_77 = arith.constant 32 : i32
      %mul3A_78 = arith.muli %mul3A_77, %add3A_76 : i32
      %add3A_79 = arith.addi %add3A, %mul3A_78 : i32
      %lt3A_80 = arith.constant 1953 : i32
      %lt3A_81 = arith.cmpi slt, %add3A_79, %lt3A_80 : i32
      %convert_element_type3A_82 = arith.extui %lt3A_81 : i1 to i32
      %cond3A_83 = arith.constant 0 : i32
      %cond3A_84 = arith.cmpi ne, %convert_element_type3A_82, %cond3A_83 : i32
      scf.if %cond3A_84 {
        %mul3A_136 = arith.constant 512 : i32
        %mul3A_137 = arith.muli %add3A_79, %mul3A_136 : i32
        %dma_start3A = arith.constant 1 : i32
        %dma_start3A_138 = arith.constant 0 : i32
        %dma_start3A_139 = arith.constant 0 : i32
        %dma_start3A_140 = tpu.memref_slice %arg10[%dma_start3A, %dma_start3A_138, %dma_start3A_139] : memref<2x64x512xf32, #tpu.memory_space<vmem>> -> memref<1x64x512xf32, #tpu.memory_space<vmem>>
        %dma_start3A_141 = tpu.memref_squeeze %dma_start3A_140 : memref<1x64x512xf32, #tpu.memory_space<vmem>> -> memref<64x512xf32, #tpu.memory_space<vmem>>
        %dma_start3A_142 = arith.constant 0 : i32
        %dma_start3A_143 = tpu.memref_slice %arg5[%dma_start3A_142, %mul3A_137] : memref<64x1000000xf32, #tpu.memory_space<hbm>> -> memref<64x512xf32, #tpu.memory_space<hbm>>
        %dma_start3A_144 = arith.constant 0 : i32
        %dma_start3A_145 = arith.constant 0 : i32
        %dma_start3A_146 = tpu.memref_slice %arg10[%dma_start3A, %dma_start3A_144, %dma_start3A_145] : memref<2x64x512xf32, #tpu.memory_space<vmem>> -> memref<1x64x512xf32, #tpu.memory_space<vmem>>
        %dma_start3A_147 = tpu.memref_squeeze %dma_start3A_146 : memref<1x64x512xf32, #tpu.memory_space<vmem>> -> memref<64x512xf32, #tpu.memory_space<vmem>>
        %dma_start3A_148 = arith.constant 0 : i32
        %dma_start3A_149 = tpu.memref_slice %arg5[%dma_start3A_148, %mul3A_137] : memref<64x1000000xf32, #tpu.memory_space<hbm>> -> memref<64x512xf32, #tpu.memory_space<hbm>>
        tpu.enqueue_dma source(%dma_start3A_149 : memref<64x512xf32, #tpu.memory_space<hbm>>) target(%dma_start3A_147 : memref<64x512xf32, #tpu.memory_space<vmem>>) target_semaphore(%arg14 : memref<!tpu.dma_semaphore, #tpu.memory_space<semaphore_mem>>)
      } else {
      }
      %mul3A_85 = arith.constant 32 : i32
      %mul3A_86 = arith.muli %mul3A_85, %mul3A_74 : i32
      %add3A_87 = arith.addi %add3A, %mul3A_86 : i32
      %lt3A_88 = arith.constant 1953 : i32
      %lt3A_89 = arith.cmpi slt, %add3A_87, %lt3A_88 : i32
      %convert_element_type3A_90 = arith.extui %lt3A_89 : i1 to i32
      %cond3A_91 = arith.constant 0 : i32
      %cond3A_92 = arith.cmpi ne, %convert_element_type3A_90, %cond3A_91 : i32
      scf.if %cond3A_92 {
        %dma_wait3A = arith.constant 0 : i32
        %dma_wait3A_136 = arith.constant 0 : i32
        %dma_wait3A_137 = arith.constant 0 : i32
        %dma_wait3A_138 = tpu.memref_slice %arg10[%dma_wait3A, %dma_wait3A_136, %dma_wait3A_137] : memref<2x64x512xf32, #tpu.memory_space<vmem>> -> memref<1x64x512xf32, #tpu.memory_space<vmem>>
        %dma_wait3A_139 = tpu.memref_squeeze %dma_wait3A_138 : memref<1x64x512xf32, #tpu.memory_space<vmem>> -> memref<64x512xf32, #tpu.memory_space<vmem>>
        %dma_wait3A_140 = arith.constant 0 : i32
        %dma_wait3A_141 = arith.constant 0 : i32
        %dma_wait3A_142 = tpu.memref_slice %arg4[%dma_wait3A_140, %dma_wait3A_141] : memref<64x1000000xf32, #tpu.memory_space<hbm>> -> memref<64x512xf32, #tpu.memory_space<hbm>>
        %dma_wait3A_143 = arith.constant 0 : i32
        %dma_wait3A_144 = arith.constant 0 : i32
        %dma_wait3A_145 = tpu.memref_slice %arg10[%dma_wait3A, %dma_wait3A_143, %dma_wait3A_144] : memref<2x64x512xf32, #tpu.memory_space<vmem>> -> memref<1x64x512xf32, #tpu.memory_space<vmem>>
        %dma_wait3A_146 = tpu.memref_squeeze %dma_wait3A_145 : memref<1x64x512xf32, #tpu.memory_space<vmem>> -> memref<64x512xf32, #tpu.memory_space<vmem>>
        %dma_wait3A_147 = arith.constant 0 : i32
        %dma_wait3A_148 = arith.constant 0 : i32
        %dma_wait3A_149 = tpu.memref_slice %arg4[%dma_wait3A_147, %dma_wait3A_148] : memref<64x1000000xf32, #tpu.memory_space<hbm>> -> memref<64x512xf32, #tpu.memory_space<hbm>>
        tpu.wait_dma2 semaphore(%arg13 : memref<!tpu.dma_semaphore, #tpu.memory_space<semaphore_mem>>) src(%dma_wait3A_149 : memref<64x512xf32, #tpu.memory_space<hbm>>) dst(%dma_wait3A_146 : memref<64x512xf32, #tpu.memory_space<vmem>>)
      } else {
      }
      %while3A = arith.constant 0 : i32
      %while3A_93 = arith.subi %shift_right_logical3A_46, %while3A : i32
      %while3A_94 = arith.addi %while3A, %while3A_93 : i32
      %while3A_95 = arith.constant 1 : i32
      %while3A_96 = arith.divsi %while3A_93, %while3A_95 : i32
      %while3A_97 = arith.muli %while3A_96, %while3A_95 : i32
      %while3A_98 = arith.addi %while3A, %while3A_97 : i32
      %while3A_99 = arith.constant 1 : i32
      %while3A_100 = scf.for %while3A_136 = %while3A to %while3A_98 step %while3A_99 iter_args(%while3A_137 = %scan3A_72) -> (i32)  : i32 {
        %mul3A_138 = arith.constant 16 : i32
        %mul3A_139 = arith.muli %while3A_136, %mul3A_138 : i32
        %get3A = arith.index_cast %mul3A_139 : i32 to index
        %get3A_140 = tpu.vector_load %arg9[%get3A] {strides = array<i32>} : memref<16400xi32, #tpu.memory_space<vmem>>, vector<16xi32>,
        %shift_right_logical3A_141 = arith.constant 23 : i32
        %shift_right_logical3A_142 = vector.broadcast %shift_right_logical3A_141 : i32 to vector<16xi32>
        %shift_right_logical3A_143 = arith.shrui %get3A_140, %shift_right_logical3A_142 : vector<16xi32>
        %eq3A = vector.broadcast %mul3A_74 : i32 to vector<16xi32>
        %eq3A_144 = arith.cmpi eq, %shift_right_logical3A_143, %eq3A : vector<16xi32>
        %all_reduce_population_count3A = tpu.all_reduce %eq3A_144 {dim = 0 : i64, kind = #tpu.reduction_kind<sum>} : vector<16xi1> -> vector<16xi32>
        %slice3A = vector.extract_strided_slice %all_reduce_population_count3A {offsets = [0], sizes = [1], strides = [1]} : vector<16xi32> to vector<1xi32>
        %squeeze3A = vector.extract %slice3A[0] : i32 from vector<1xi32>
        %gt3A = arith.constant 0 : i32
        %gt3A_145 = arith.cmpi sgt, %squeeze3A, %gt3A : i32
        %convert_element_type3A_146 = arith.extui %gt3A_145 : i1 to i32
        %cond3A_147 = arith.constant 0 : i32
        %cond3A_148 = arith.cmpi ne, %convert_element_type3A_146, %cond3A_147 : i32
        scf.if %cond3A_148 {
          %shift_right_logical3A_153 = arith.constant 14 : i32
          %shift_right_logical3A_154 = vector.broadcast %shift_right_logical3A_153 : i32 to vector<16xi32>
          %shift_right_logical3A_155 = arith.shrui %get3A_140, %shift_right_logical3A_154 : vector<16xi32>
          %and3A = arith.constant 511 : i32
          %and3A_156 = vector.broadcast %and3A : i32 to vector<16xi32>
          %and3A_157 = arith.andi %shift_right_logical3A_155, %and3A_156 : vector<16xi32>
          %and3A_158 = arith.constant 16383 : i32
          %and3A_159 = vector.broadcast %and3A_158 : i32 to vector<16xi32>
          %and3A_160 = arith.andi %get3A_140, %and3A_159 : vector<16xi32>
          %rem3A = arith.constant 2 : i32
          %rem3A_161 = arith.remsi %while3A_137, %rem3A : i32
          %ge3A_162 = arith.constant 2 : i32
          %ge3A_163 = arith.cmpi sge, %while3A_137, %ge3A_162 : i32
          %convert_element_type3A_164 = arith.extui %ge3A_163 : i1 to i32
          %cond3A_165 = arith.constant 0 : i32
          %cond3A_166 = arith.cmpi ne, %convert_element_type3A_164, %cond3A_165 : i32
          scf.if %cond3A_166 {
            %dma_wait3A = arith.constant 0 : i32
            %dma_wait3A_190 = arith.constant 0 : i32
            %dma_wait3A_191 = arith.constant 0 : i32
            %dma_wait3A_192 = tpu.memref_slice %arg11[%dma_wait3A, %dma_wait3A_190, %dma_wait3A_191] : memref<2x16x128xf32, #tpu.memory_space<vmem>> -> memref<1x16x128xf32, #tpu.memory_space<vmem>>
            %dma_wait3A_193 = tpu.memref_squeeze %dma_wait3A_192 : memref<1x16x128xf32, #tpu.memory_space<vmem>> -> memref<16x128xf32, #tpu.memory_space<vmem>>
            %dma_wait3A_194 = arith.constant 0 : i32
            %dma_wait3A_195 = arith.constant 0 : i32
            %dma_wait3A_196 = tpu.memref_slice %arg4[%dma_wait3A_194, %dma_wait3A_195] : memref<64x1000000xf32, #tpu.memory_space<hbm>> -> memref<16x128xf32, #tpu.memory_space<hbm>>
            %dma_wait3A_197 = arith.constant 0 : i32
            %dma_wait3A_198 = arith.constant 0 : i32
            %dma_wait3A_199 = tpu.memref_slice %arg11[%dma_wait3A, %dma_wait3A_197, %dma_wait3A_198] : memref<2x16x128xf32, #tpu.memory_space<vmem>> -> memref<1x16x128xf32, #tpu.memory_space<vmem>>
            %dma_wait3A_200 = tpu.memref_squeeze %dma_wait3A_199 : memref<1x16x128xf32, #tpu.memory_space<vmem>> -> memref<16x128xf32, #tpu.memory_space<vmem>>
            %dma_wait3A_201 = arith.constant 0 : i32
            %dma_wait3A_202 = arith.constant 0 : i32
            %dma_wait3A_203 = tpu.memref_slice %arg4[%dma_wait3A_201, %dma_wait3A_202] : memref<64x1000000xf32, #tpu.memory_space<hbm>> -> memref<16x128xf32, #tpu.memory_space<hbm>>
            tpu.wait_dma2 semaphore(%arg15 : memref<!tpu.dma_semaphore, #tpu.memory_space<semaphore_mem>>) src(%dma_wait3A_203 : memref<16x128xf32, #tpu.memory_space<hbm>>) dst(%dma_wait3A_200 : memref<16x128xf32, #tpu.memory_space<vmem>>)
          } else {
          }
          %add3A_167 = arith.constant 16384 : i32
          %add3A_168 = vector.broadcast %add3A_167 : i32 to vector<16xi32>
          %add3A_169 = arith.addi %add3A_168, %iota3A : vector<16xi32>
          %select_n3A_170 = arith.select %eq3A_144, %and3A_160, %add3A_169 : vector<16xi1>, vector<16xi32>
          %swap3A_171 = arith.index_cast %rem3A_161 : i32 to index
          %swap3A_172 = arith.constant 0 : index
          %swap3A_173 = tpu.vector_load %arg12[%swap3A_171, %swap3A_172] {strides = array<i32>} : memref<2x16xi32, #tpu.memory_space<vmem>>, vector<16xi32>,
          tpu.vector_store %arg12[%swap3A_171, %swap3A_172], %select_n3A_170 {strides = array<i32>} : memref<2x16xi32, #tpu.memory_space<vmem>>, vector<16xi32>,
          %scan3A_174 = arith.constant 0 : i32
          %scan3A_175 = arith.constant 0 : i32
          %scan3A_176 = arith.constant 64 : i32
          %scan3A_177 = arith.addi %scan3A_175, %scan3A_176 : i32
          %scan3A_178 = arith.constant 1 : i32
          %scan3A_179 = scf.for %scan3A_190 = %scan3A_175 to %scan3A_177 step %scan3A_178 iter_args(%scan3A_191 = %scan3A_174) -> (i32)  : i32 {
            %broadcast_in_dim3A_192 = arith.constant 0 : i32
            %broadcast_in_dim3A_193 = vector.broadcast %broadcast_in_dim3A_192 : i32 to vector<16xi32>
            %broadcast_in_dim3A_194 = vector.broadcast %scan3A_190 : i32 to vector<16xi32>
            %gather3A = tpu.vector_load_idx %arg10[%broadcast_in_dim3A_193, %broadcast_in_dim3A_194, %and3A_157] : memref<2x64x512xf32, #tpu.memory_space<vmem>>[vector<16xi32>, vector<16xi32>, vector<16xi32>], vector<16xf32>,
            %broadcast_in_dim3A_195 = vector.broadcast %rem3A_161 : i32 to vector<16xi32>
            %broadcast_in_dim3A_196 = vector.broadcast %scan3A_190 : i32 to vector<16xi32>
            tpu.vector_store_idx %arg11[%broadcast_in_dim3A_195, %iota3A, %broadcast_in_dim3A_196], %gather3A : memref<2x16x128xf32, #tpu.memory_space<vmem>>[vector<16xi32>, vector<16xi32>, vector<16xi32>], vector<16xf32>,
            %scan3A_197 = arith.constant 0 : i32
            scf.yield %scan3A_197 : i32
          }
          %scan3A_180 = arith.constant 64 : i32
          %dma_start3A = arith.constant 0 : i32
          %dma_start3A_181 = arith.constant 0 : i32
          %dma_start3A_182 = tpu.memref_slice %arg11[%rem3A_161, %dma_start3A, %dma_start3A_181] : memref<2x16x128xf32, #tpu.memory_space<vmem>> -> memref<1x16x128xf32, #tpu.memory_space<vmem>>
          %dma_start3A_183 = tpu.memref_squeeze %dma_start3A_182 : memref<1x16x128xf32, #tpu.memory_space<vmem>> -> memref<16x128xf32, #tpu.memory_space<vmem>>
          %dma_start3A_184 = arith.constant 0 : i32
          %dma_start3A_185 = tpu.memref_slice %arg12[%rem3A_161, %dma_start3A_184] : memref<2x16xi32, #tpu.memory_space<vmem>> -> memref<1x16xi32, #tpu.memory_space<vmem>>
          %dma_start3A_186 = tpu.memref_squeeze %dma_start3A_185 : memref<1x16xi32, #tpu.memory_space<vmem>> -> memref<16xi32, #tpu.memory_space<vmem>>
          %dma_start3A_187 = arith.constant 0 : i32
          %dma_start3A_188 = arith.constant 0 : i32
          %dma_start3A_189 = tpu.memref_slice %arg7[%dma_start3A_187, %dma_start3A_188] : memref<16400x128xf32, #tpu.memory_space<hbm>> -> memref<16400x128xf32, #tpu.memory_space<hbm>>
          tpu.enqueue_indirect_dma source(%dma_start3A_183 : memref<16x128xf32, #tpu.memory_space<vmem>>) target(%dma_start3A_189 : memref<16400x128xf32, #tpu.memory_space<hbm>>) offsets(%dma_start3A_186 : memref<16xi32, #tpu.memory_space<vmem>>) semaphore(%arg15 : memref<!tpu.dma_semaphore, #tpu.memory_space<semaphore_mem>>)
        } else {
        }
        %gt3A_149 = arith.constant 0 : i32
        %gt3A_150 = arith.cmpi sgt, %squeeze3A, %gt3A_149 : i32
        %add3A_151 = arith.constant 1 : i32
        %add3A_152 = arith.addi %while3A_137, %add3A_151 : i32
        %select_n3A = arith.select %gt3A_150, %add3A_152, %while3A_137 : i32
        scf.yield %select_n3A : i32
      }
      %while3A_101 = arith.constant 1 : i32
      %while3A_102 = scf.for %while3A_136 = %while3A_98 to %while3A_94 step %while3A_101 iter_args(%while3A_137 = %while3A_100) -> (i32)  : i32 {
        %mul3A_138 = arith.constant 16 : i32
        %mul3A_139 = arith.muli %while3A_136, %mul3A_138 : i32
        %get3A = arith.index_cast %mul3A_139 : i32 to index
        %get3A_140 = tpu.vector_load %arg9[%get3A] {strides = array<i32>} : memref<16400xi32, #tpu.memory_space<vmem>>, vector<16xi32>,
        %shift_right_logical3A_141 = arith.constant 23 : i32
        %shift_right_logical3A_142 = vector.broadcast %shift_right_logical3A_141 : i32 to vector<16xi32>
        %shift_right_logical3A_143 = arith.shrui %get3A_140, %shift_right_logical3A_142 : vector<16xi32>
        %eq3A = vector.broadcast %mul3A_74 : i32 to vector<16xi32>
        %eq3A_144 = arith.cmpi eq, %shift_right_logical3A_143, %eq3A : vector<16xi32>
        %all_reduce_population_count3A = tpu.all_reduce %eq3A_144 {dim = 0 : i64, kind = #tpu.reduction_kind<sum>} : vector<16xi1> -> vector<16xi32>
        %slice3A = vector.extract_strided_slice %all_reduce_population_count3A {offsets = [0], sizes = [1], strides = [1]} : vector<16xi32> to vector<1xi32>
        %squeeze3A = vector.extract %slice3A[0] : i32 from vector<1xi32>
        %gt3A = arith.constant 0 : i32
        %gt3A_145 = arith.cmpi sgt, %squeeze3A, %gt3A : i32
        %convert_element_type3A_146 = arith.extui %gt3A_145 : i1 to i32
        %cond3A_147 = arith.constant 0 : i32
        %cond3A_148 = arith.cmpi ne, %convert_element_type3A_146, %cond3A_147 : i32
        scf.if %cond3A_148 {
          %shift_right_logical3A_153 = arith.constant 14 : i32
          %shift_right_logical3A_154 = vector.broadcast %shift_right_logical3A_153 : i32 to vector<16xi32>
          %shift_right_logical3A_155 = arith.shrui %get3A_140, %shift_right_logical3A_154 : vector<16xi32>
          %and3A = arith.constant 511 : i32
          %and3A_156 = vector.broadcast %and3A : i32 to vector<16xi32>
          %and3A_157 = arith.andi %shift_right_logical3A_155, %and3A_156 : vector<16xi32>
          %and3A_158 = arith.constant 16383 : i32
          %and3A_159 = vector.broadcast %and3A_158 : i32 to vector<16xi32>
          %and3A_160 = arith.andi %get3A_140, %and3A_159 : vector<16xi32>
          %rem3A = arith.constant 2 : i32
          %rem3A_161 = arith.remsi %while3A_137, %rem3A : i32
          %ge3A_162 = arith.constant 2 : i32
          %ge3A_163 = arith.cmpi sge, %while3A_137, %ge3A_162 : i32
          %convert_element_type3A_164 = arith.extui %ge3A_163 : i1 to i32
          %cond3A_165 = arith.constant 0 : i32
          %cond3A_166 = arith.cmpi ne, %convert_element_type3A_164, %cond3A_165 : i32
          scf.if %cond3A_166 {
            %dma_wait3A = arith.constant 0 : i32
            %dma_wait3A_190 = arith.constant 0 : i32
            %dma_wait3A_191 = arith.constant 0 : i32
            %dma_wait3A_192 = tpu.memref_slice %arg11[%dma_wait3A, %dma_wait3A_190, %dma_wait3A_191] : memref<2x16x128xf32, #tpu.memory_space<vmem>> -> memref<1x16x128xf32, #tpu.memory_space<vmem>>
            %dma_wait3A_193 = tpu.memref_squeeze %dma_wait3A_192 : memref<1x16x128xf32, #tpu.memory_space<vmem>> -> memref<16x128xf32, #tpu.memory_space<vmem>>
            %dma_wait3A_194 = arith.constant 0 : i32
            %dma_wait3A_195 = arith.constant 0 : i32
            %dma_wait3A_196 = tpu.memref_slice %arg4[%dma_wait3A_194, %dma_wait3A_195] : memref<64x1000000xf32, #tpu.memory_space<hbm>> -> memref<16x128xf32, #tpu.memory_space<hbm>>
            %dma_wait3A_197 = arith.constant 0 : i32
            %dma_wait3A_198 = arith.constant 0 : i32
            %dma_wait3A_199 = tpu.memref_slice %arg11[%dma_wait3A, %dma_wait3A_197, %dma_wait3A_198] : memref<2x16x128xf32, #tpu.memory_space<vmem>> -> memref<1x16x128xf32, #tpu.memory_space<vmem>>
            %dma_wait3A_200 = tpu.memref_squeeze %dma_wait3A_199 : memref<1x16x128xf32, #tpu.memory_space<vmem>> -> memref<16x128xf32, #tpu.memory_space<vmem>>
            %dma_wait3A_201 = arith.constant 0 : i32
            %dma_wait3A_202 = arith.constant 0 : i32
            %dma_wait3A_203 = tpu.memref_slice %arg4[%dma_wait3A_201, %dma_wait3A_202] : memref<64x1000000xf32, #tpu.memory_space<hbm>> -> memref<16x128xf32, #tpu.memory_space<hbm>>
            tpu.wait_dma2 semaphore(%arg15 : memref<!tpu.dma_semaphore, #tpu.memory_space<semaphore_mem>>) src(%dma_wait3A_203 : memref<16x128xf32, #tpu.memory_space<hbm>>) dst(%dma_wait3A_200 : memref<16x128xf32, #tpu.memory_space<vmem>>)
          } else {
          }
          %add3A_167 = arith.constant 16384 : i32
          %add3A_168 = vector.broadcast %add3A_167 : i32 to vector<16xi32>
          %add3A_169 = arith.addi %add3A_168, %iota3A : vector<16xi32>
          %select_n3A_170 = arith.select %eq3A_144, %and3A_160, %add3A_169 : vector<16xi1>, vector<16xi32>
          %swap3A_171 = arith.index_cast %rem3A_161 : i32 to index
          %swap3A_172 = arith.constant 0 : index
          %swap3A_173 = tpu.vector_load %arg12[%swap3A_171, %swap3A_172] {strides = array<i32>} : memref<2x16xi32, #tpu.memory_space<vmem>>, vector<16xi32>,
          tpu.vector_store %arg12[%swap3A_171, %swap3A_172], %select_n3A_170 {strides = array<i32>} : memref<2x16xi32, #tpu.memory_space<vmem>>, vector<16xi32>,
          %scan3A_174 = arith.constant 0 : i32
          %scan3A_175 = arith.constant 0 : i32
          %scan3A_176 = arith.constant 64 : i32
          %scan3A_177 = arith.addi %scan3A_175, %scan3A_176 : i32
          %scan3A_178 = arith.constant 1 : i32
          %scan3A_179 = scf.for %scan3A_190 = %scan3A_175 to %scan3A_177 step %scan3A_178 iter_args(%scan3A_191 = %scan3A_174) -> (i32)  : i32 {
            %broadcast_in_dim3A_192 = arith.constant 0 : i32
            %broadcast_in_dim3A_193 = vector.broadcast %broadcast_in_dim3A_192 : i32 to vector<16xi32>
            %broadcast_in_dim3A_194 = vector.broadcast %scan3A_190 : i32 to vector<16xi32>
            %gather3A = tpu.vector_load_idx %arg10[%broadcast_in_dim3A_193, %broadcast_in_dim3A_194, %and3A_157] : memref<2x64x512xf32, #tpu.memory_space<vmem>>[vector<16xi32>, vector<16xi32>, vector<16xi32>], vector<16xf32>,
            %broadcast_in_dim3A_195 = vector.broadcast %rem3A_161 : i32 to vector<16xi32>
            %broadcast_in_dim3A_196 = vector.broadcast %scan3A_190 : i32 to vector<16xi32>
            tpu.vector_store_idx %arg11[%broadcast_in_dim3A_195, %iota3A, %broadcast_in_dim3A_196], %gather3A : memref<2x16x128xf32, #tpu.memory_space<vmem>>[vector<16xi32>, vector<16xi32>, vector<16xi32>], vector<16xf32>,
            %scan3A_197 = arith.constant 0 : i32
            scf.yield %scan3A_197 : i32
          }
          %scan3A_180 = arith.constant 64 : i32
          %dma_start3A = arith.constant 0 : i32
          %dma_start3A_181 = arith.constant 0 : i32
          %dma_start3A_182 = tpu.memref_slice %arg11[%rem3A_161, %dma_start3A, %dma_start3A_181] : memref<2x16x128xf32, #tpu.memory_space<vmem>> -> memref<1x16x128xf32, #tpu.memory_space<vmem>>
          %dma_start3A_183 = tpu.memref_squeeze %dma_start3A_182 : memref<1x16x128xf32, #tpu.memory_space<vmem>> -> memref<16x128xf32, #tpu.memory_space<vmem>>
          %dma_start3A_184 = arith.constant 0 : i32
          %dma_start3A_185 = tpu.memref_slice %arg12[%rem3A_161, %dma_start3A_184] : memref<2x16xi32, #tpu.memory_space<vmem>> -> memref<1x16xi32, #tpu.memory_space<vmem>>
          %dma_start3A_186 = tpu.memref_squeeze %dma_start3A_185 : memref<1x16xi32, #tpu.memory_space<vmem>> -> memref<16xi32, #tpu.memory_space<vmem>>
          %dma_start3A_187 = arith.constant 0 : i32
          %dma_start3A_188 = arith.constant 0 : i32
          %dma_start3A_189 = tpu.memref_slice %arg7[%dma_start3A_187, %dma_start3A_188] : memref<16400x128xf32, #tpu.memory_space<hbm>> -> memref<16400x128xf32, #tpu.memory_space<hbm>>
          tpu.enqueue_indirect_dma source(%dma_start3A_183 : memref<16x128xf32, #tpu.memory_space<vmem>>) target(%dma_start3A_189 : memref<16400x128xf32, #tpu.memory_space<hbm>>) offsets(%dma_start3A_186 : memref<16xi32, #tpu.memory_space<vmem>>) semaphore(%arg15 : memref<!tpu.dma_semaphore, #tpu.memory_space<semaphore_mem>>)
        } else {
        }
        %gt3A_149 = arith.constant 0 : i32
        %gt3A_150 = arith.cmpi sgt, %squeeze3A, %gt3A_149 : i32
        %add3A_151 = arith.constant 1 : i32
        %add3A_152 = arith.addi %while3A_137, %add3A_151 : i32
        %select_n3A = arith.select %gt3A_150, %add3A_152, %while3A_137 : i32
        scf.yield %select_n3A : i32
      }
      %mul3A_103 = arith.constant 2 : i32
      %mul3A_104 = arith.muli %mul3A_103, %scan3A_71 : i32
      %add3A_105 = arith.constant 1 : i32
      %add3A_106 = arith.addi %mul3A_104, %add3A_105 : i32
      %add3A_107 = arith.constant 1 : i32
      %add3A_108 = arith.addi %add3A_106, %add3A_107 : i32
      %mul3A_109 = arith.constant 32 : i32
      %mul3A_110 = arith.muli %mul3A_109, %add3A_108 : i32
      %add3A_111 = arith.addi %add3A, %mul3A_110 : i32
      %lt3A_112 = arith.constant 1953 : i32
      %lt3A_113 = arith.cmpi slt, %add3A_111, %lt3A_112 : i32
      %convert_element_type3A_114 = arith.extui %lt3A_113 : i1 to i32
      %cond3A_115 = arith.constant 0 : i32
      %cond3A_116 = arith.cmpi ne, %convert_element_type3A_114, %cond3A_115 : i32
      scf.if %cond3A_116 {
        %mul3A_136 = arith.constant 512 : i32
        %mul3A_137 = arith.muli %add3A_111, %mul3A_136 : i32
        %dma_start3A = arith.constant 0 : i32
        %dma_start3A_138 = arith.constant 0 : i32
        %dma_start3A_139 = arith.constant 0 : i32
        %dma_start3A_140 = tpu.memref_slice %arg10[%dma_start3A, %dma_start3A_138, %dma_start3A_139] : memref<2x64x512xf32, #tpu.memory_space<vmem>> -> memref<1x64x512xf32, #tpu.memory_space<vmem>>
        %dma_start3A_141 = tpu.memref_squeeze %dma_start3A_140 : memref<1x64x512xf32, #tpu.memory_space<vmem>> -> memref<64x512xf32, #tpu.memory_space<vmem>>
        %dma_start3A_142 = arith.constant 0 : i32
        %dma_start3A_143 = tpu.memref_slice %arg5[%dma_start3A_142, %mul3A_137] : memref<64x1000000xf32, #tpu.memory_space<hbm>> -> memref<64x512xf32, #tpu.memory_space<hbm>>
        %dma_start3A_144 = arith.constant 0 : i32
        %dma_start3A_145 = arith.constant 0 : i32
        %dma_start3A_146 = tpu.memref_slice %arg10[%dma_start3A, %dma_start3A_144, %dma_start3A_145] : memref<2x64x512xf32, #tpu.memory_space<vmem>> -> memref<1x64x512xf32, #tpu.memory_space<vmem>>
        %dma_start3A_147 = tpu.memref_squeeze %dma_start3A_146 : memref<1x64x512xf32, #tpu.memory_space<vmem>> -> memref<64x512xf32, #tpu.memory_space<vmem>>
        %dma_start3A_148 = arith.constant 0 : i32
        %dma_start3A_149 = tpu.memref_slice %arg5[%dma_start3A_148, %mul3A_137] : memref<64x1000000xf32, #tpu.memory_space<hbm>> -> memref<64x512xf32, #tpu.memory_space<hbm>>
        tpu.enqueue_dma source(%dma_start3A_149 : memref<64x512xf32, #tpu.memory_space<hbm>>) target(%dma_start3A_147 : memref<64x512xf32, #tpu.memory_space<vmem>>) target_semaphore(%arg13 : memref<!tpu.dma_semaphore, #tpu.memory_space<semaphore_mem>>)
      } else {
      }
      %mul3A_117 = arith.constant 32 : i32
      %mul3A_118 = arith.muli %mul3A_117, %add3A_106 : i32
      %add3A_119 = arith.addi %add3A, %mul3A_118 : i32
      %lt3A_120 = arith.constant 1953 : i32
      %lt3A_121 = arith.cmpi slt, %add3A_119, %lt3A_120 : i32
      %convert_element_type3A_122 = arith.extui %lt3A_121 : i1 to i32
      %cond3A_123 = arith.constant 0 : i32
      %cond3A_124 = arith.cmpi ne, %convert_element_type3A_122, %cond3A_123 : i32
      scf.if %cond3A_124 {
        %dma_wait3A = arith.constant 1 : i32
        %dma_wait3A_136 = arith.constant 0 : i32
        %dma_wait3A_137 = arith.constant 0 : i32
        %dma_wait3A_138 = tpu.memref_slice %arg10[%dma_wait3A, %dma_wait3A_136, %dma_wait3A_137] : memref<2x64x512xf32, #tpu.memory_space<vmem>> -> memref<1x64x512xf32, #tpu.memory_space<vmem>>
        %dma_wait3A_139 = tpu.memref_squeeze %dma_wait3A_138 : memref<1x64x512xf32, #tpu.memory_space<vmem>> -> memref<64x512xf32, #tpu.memory_space<vmem>>
        %dma_wait3A_140 = arith.constant 0 : i32
        %dma_wait3A_141 = arith.constant 0 : i32
        %dma_wait3A_142 = tpu.memref_slice %arg4[%dma_wait3A_140, %dma_wait3A_141] : memref<64x1000000xf32, #tpu.memory_space<hbm>> -> memref<64x512xf32, #tpu.memory_space<hbm>>
        %dma_wait3A_143 = arith.constant 0 : i32
        %dma_wait3A_144 = arith.constant 0 : i32
        %dma_wait3A_145 = tpu.memref_slice %arg10[%dma_wait3A, %dma_wait3A_143, %dma_wait3A_144] : memref<2x64x512xf32, #tpu.memory_space<vmem>> -> memref<1x64x512xf32, #tpu.memory_space<vmem>>
        %dma_wait3A_146 = tpu.memref_squeeze %dma_wait3A_145 : memref<1x64x512xf32, #tpu.memory_space<vmem>> -> memref<64x512xf32, #tpu.memory_space<vmem>>
        %dma_wait3A_147 = arith.constant 0 : i32
        %dma_wait3A_148 = arith.constant 0 : i32
        %dma_wait3A_149 = tpu.memref_slice %arg4[%dma_wait3A_147, %dma_wait3A_148] : memref<64x1000000xf32, #tpu.memory_space<hbm>> -> memref<64x512xf32, #tpu.memory_space<hbm>>
        tpu.wait_dma2 semaphore(%arg14 : memref<!tpu.dma_semaphore, #tpu.memory_space<semaphore_mem>>) src(%dma_wait3A_149 : memref<64x512xf32, #tpu.memory_space<hbm>>) dst(%dma_wait3A_146 : memref<64x512xf32, #tpu.memory_space<vmem>>)
      } else {
      }
      %while3A_125 = arith.constant 0 : i32
      %while3A_126 = arith.subi %shift_right_logical3A_46, %while3A_125 : i32
      %while3A_127 = arith.addi %while3A_125, %while3A_126 : i32
      %while3A_128 = arith.constant 1 : i32
      %while3A_129 = arith.divsi %while3A_126, %while3A_128 : i32
      %while3A_130 = arith.muli %while3A_129, %while3A_128 : i32
      %while3A_131 = arith.addi %while3A_125, %while3A_130 : i32
      %while3A_132 = arith.constant 1 : i32
      %while3A_133 = scf.for %while3A_136 = %while3A_125 to %while3A_131 step %while3A_132 iter_args(%while3A_137 = %while3A_102) -> (i32)  : i32 {
        %mul3A_138 = arith.constant 16 : i32
        %mul3A_139 = arith.muli %while3A_136, %mul3A_138 : i32
        %get3A = arith.index_cast %mul3A_139 : i32 to index
        %get3A_140 = tpu.vector_load %arg9[%get3A] {strides = array<i32>} : memref<16400xi32, #tpu.memory_space<vmem>>, vector<16xi32>,
        %shift_right_logical3A_141 = arith.constant 23 : i32
        %shift_right_logical3A_142 = vector.broadcast %shift_right_logical3A_141 : i32 to vector<16xi32>
        %shift_right_logical3A_143 = arith.shrui %get3A_140, %shift_right_logical3A_142 : vector<16xi32>
        %eq3A = vector.broadcast %add3A_106 : i32 to vector<16xi32>
        %eq3A_144 = arith.cmpi eq, %shift_right_logical3A_143, %eq3A : vector<16xi32>
        %all_reduce_population_count3A = tpu.all_reduce %eq3A_144 {dim = 0 : i64, kind = #tpu.reduction_kind<sum>} : vector<16xi1> -> vector<16xi32>
        %slice3A = vector.extract_strided_slice %all_reduce_population_count3A {offsets = [0], sizes = [1], strides = [1]} : vector<16xi32> to vector<1xi32>
        %squeeze3A = vector.extract %slice3A[0] : i32 from vector<1xi32>
        %gt3A = arith.constant 0 : i32
        %gt3A_145 = arith.cmpi sgt, %squeeze3A, %gt3A : i32
        %convert_element_type3A_146 = arith.extui %gt3A_145 : i1 to i32
        %cond3A_147 = arith.constant 0 : i32
        %cond3A_148 = arith.cmpi ne, %convert_element_type3A_146, %cond3A_147 : i32
        scf.if %cond3A_148 {
          %shift_right_logical3A_153 = arith.constant 14 : i32
          %shift_right_logical3A_154 = vector.broadcast %shift_right_logical3A_153 : i32 to vector<16xi32>
          %shift_right_logical3A_155 = arith.shrui %get3A_140, %shift_right_logical3A_154 : vector<16xi32>
          %and3A = arith.constant 511 : i32
          %and3A_156 = vector.broadcast %and3A : i32 to vector<16xi32>
          %and3A_157 = arith.andi %shift_right_logical3A_155, %and3A_156 : vector<16xi32>
          %and3A_158 = arith.constant 16383 : i32
          %and3A_159 = vector.broadcast %and3A_158 : i32 to vector<16xi32>
          %and3A_160 = arith.andi %get3A_140, %and3A_159 : vector<16xi32>
          %rem3A = arith.constant 2 : i32
          %rem3A_161 = arith.remsi %while3A_137, %rem3A : i32
          %ge3A_162 = arith.constant 2 : i32
          %ge3A_163 = arith.cmpi sge, %while3A_137, %ge3A_162 : i32
          %convert_element_type3A_164 = arith.extui %ge3A_163 : i1 to i32
          %cond3A_165 = arith.constant 0 : i32
          %cond3A_166 = arith.cmpi ne, %convert_element_type3A_164, %cond3A_165 : i32
          scf.if %cond3A_166 {
            %dma_wait3A = arith.constant 0 : i32
            %dma_wait3A_190 = arith.constant 0 : i32
            %dma_wait3A_191 = arith.constant 0 : i32
            %dma_wait3A_192 = tpu.memref_slice %arg11[%dma_wait3A, %dma_wait3A_190, %dma_wait3A_191] : memref<2x16x128xf32, #tpu.memory_space<vmem>> -> memref<1x16x128xf32, #tpu.memory_space<vmem>>
            %dma_wait3A_193 = tpu.memref_squeeze %dma_wait3A_192 : memref<1x16x128xf32, #tpu.memory_space<vmem>> -> memref<16x128xf32, #tpu.memory_space<vmem>>
            %dma_wait3A_194 = arith.constant 0 : i32
            %dma_wait3A_195 = arith.constant 0 : i32
            %dma_wait3A_196 = tpu.memref_slice %arg4[%dma_wait3A_194, %dma_wait3A_195] : memref<64x1000000xf32, #tpu.memory_space<hbm>> -> memref<16x128xf32, #tpu.memory_space<hbm>>
            %dma_wait3A_197 = arith.constant 0 : i32
            %dma_wait3A_198 = arith.constant 0 : i32
            %dma_wait3A_199 = tpu.memref_slice %arg11[%dma_wait3A, %dma_wait3A_197, %dma_wait3A_198] : memref<2x16x128xf32, #tpu.memory_space<vmem>> -> memref<1x16x128xf32, #tpu.memory_space<vmem>>
            %dma_wait3A_200 = tpu.memref_squeeze %dma_wait3A_199 : memref<1x16x128xf32, #tpu.memory_space<vmem>> -> memref<16x128xf32, #tpu.memory_space<vmem>>
            %dma_wait3A_201 = arith.constant 0 : i32
            %dma_wait3A_202 = arith.constant 0 : i32
            %dma_wait3A_203 = tpu.memref_slice %arg4[%dma_wait3A_201, %dma_wait3A_202] : memref<64x1000000xf32, #tpu.memory_space<hbm>> -> memref<16x128xf32, #tpu.memory_space<hbm>>
            tpu.wait_dma2 semaphore(%arg15 : memref<!tpu.dma_semaphore, #tpu.memory_space<semaphore_mem>>) src(%dma_wait3A_203 : memref<16x128xf32, #tpu.memory_space<hbm>>) dst(%dma_wait3A_200 : memref<16x128xf32, #tpu.memory_space<vmem>>)
          } else {
          }
          %add3A_167 = arith.constant 16384 : i32
          %add3A_168 = vector.broadcast %add3A_167 : i32 to vector<16xi32>
          %add3A_169 = arith.addi %add3A_168, %iota3A : vector<16xi32>
          %select_n3A_170 = arith.select %eq3A_144, %and3A_160, %add3A_169 : vector<16xi1>, vector<16xi32>
          %swap3A_171 = arith.index_cast %rem3A_161 : i32 to index
          %swap3A_172 = arith.constant 0 : index
          %swap3A_173 = tpu.vector_load %arg12[%swap3A_171, %swap3A_172] {strides = array<i32>} : memref<2x16xi32, #tpu.memory_space<vmem>>, vector<16xi32>,
          tpu.vector_store %arg12[%swap3A_171, %swap3A_172], %select_n3A_170 {strides = array<i32>} : memref<2x16xi32, #tpu.memory_space<vmem>>, vector<16xi32>,
          %scan3A_174 = arith.constant 0 : i32
          %scan3A_175 = arith.constant 0 : i32
          %scan3A_176 = arith.constant 64 : i32
          %scan3A_177 = arith.addi %scan3A_175, %scan3A_176 : i32
          %scan3A_178 = arith.constant 1 : i32
          %scan3A_179 = scf.for %scan3A_190 = %scan3A_175 to %scan3A_177 step %scan3A_178 iter_args(%scan3A_191 = %scan3A_174) -> (i32)  : i32 {
            %broadcast_in_dim3A_192 = arith.constant 1 : i32
            %broadcast_in_dim3A_193 = vector.broadcast %broadcast_in_dim3A_192 : i32 to vector<16xi32>
            %broadcast_in_dim3A_194 = vector.broadcast %scan3A_190 : i32 to vector<16xi32>
            %gather3A = tpu.vector_load_idx %arg10[%broadcast_in_dim3A_193, %broadcast_in_dim3A_194, %and3A_157] : memref<2x64x512xf32, #tpu.memory_space<vmem>>[vector<16xi32>, vector<16xi32>, vector<16xi32>], vector<16xf32>,
            %broadcast_in_dim3A_195 = vector.broadcast %rem3A_161 : i32 to vector<16xi32>
            %broadcast_in_dim3A_196 = vector.broadcast %scan3A_190 : i32 to vector<16xi32>
            tpu.vector_store_idx %arg11[%broadcast_in_dim3A_195, %iota3A, %broadcast_in_dim3A_196], %gather3A : memref<2x16x128xf32, #tpu.memory_space<vmem>>[vector<16xi32>, vector<16xi32>, vector<16xi32>], vector<16xf32>,
            %scan3A_197 = arith.constant 0 : i32
            scf.yield %scan3A_197 : i32
          }
          %scan3A_180 = arith.constant 64 : i32
          %dma_start3A = arith.constant 0 : i32
          %dma_start3A_181 = arith.constant 0 : i32
          %dma_start3A_182 = tpu.memref_slice %arg11[%rem3A_161, %dma_start3A, %dma_start3A_181] : memref<2x16x128xf32, #tpu.memory_space<vmem>> -> memref<1x16x128xf32, #tpu.memory_space<vmem>>
          %dma_start3A_183 = tpu.memref_squeeze %dma_start3A_182 : memref<1x16x128xf32, #tpu.memory_space<vmem>> -> memref<16x128xf32, #tpu.memory_space<vmem>>
          %dma_start3A_184 = arith.constant 0 : i32
          %dma_start3A_185 = tpu.memref_slice %arg12[%rem3A_161, %dma_start3A_184] : memref<2x16xi32, #tpu.memory_space<vmem>> -> memref<1x16xi32, #tpu.memory_space<vmem>>
          %dma_start3A_186 = tpu.memref_squeeze %dma_start3A_185 : memref<1x16xi32, #tpu.memory_space<vmem>> -> memref<16xi32, #tpu.memory_space<vmem>>
          %dma_start3A_187 = arith.constant 0 : i32
          %dma_start3A_188 = arith.constant 0 : i32
          %dma_start3A_189 = tpu.memref_slice %arg7[%dma_start3A_187, %dma_start3A_188] : memref<16400x128xf32, #tpu.memory_space<hbm>> -> memref<16400x128xf32, #tpu.memory_space<hbm>>
          tpu.enqueue_indirect_dma source(%dma_start3A_183 : memref<16x128xf32, #tpu.memory_space<vmem>>) target(%dma_start3A_189 : memref<16400x128xf32, #tpu.memory_space<hbm>>) offsets(%dma_start3A_186 : memref<16xi32, #tpu.memory_space<vmem>>) semaphore(%arg15 : memref<!tpu.dma_semaphore, #tpu.memory_space<semaphore_mem>>)
        } else {
        }
        %gt3A_149 = arith.constant 0 : i32
        %gt3A_150 = arith.cmpi sgt, %squeeze3A, %gt3A_149 : i32
        %add3A_151 = arith.constant 1 : i32
        %add3A_152 = arith.addi %while3A_137, %add3A_151 : i32
        %select_n3A = arith.select %gt3A_150, %add3A_152, %while3A_137 : i32
        scf.yield %select_n3A : i32
      }
      %while3A_134 = arith.constant 1 : i32
      %while3A_135 = scf.for %while3A_136 = %while3A_131 to %while3A_127 step %while3A_134 iter_args(%while3A_137 = %while3A_133) -> (i32)  : i32 {
        %mul3A_138 = arith.constant 16 : i32
        %mul3A_139 = arith.muli %while3A_136, %mul3A_138 : i32
        %get3A = arith.index_cast %mul3A_139 : i32 to index
        %get3A_140 = tpu.vector_load %arg9[%get3A] {strides = array<i32>} : memref<16400xi32, #tpu.memory_space<vmem>>, vector<16xi32>,
        %shift_right_logical3A_141 = arith.constant 23 : i32
        %shift_right_logical3A_142 = vector.broadcast %shift_right_logical3A_141 : i32 to vector<16xi32>
        %shift_right_logical3A_143 = arith.shrui %get3A_140, %shift_right_logical3A_142 : vector<16xi32>
        %eq3A = vector.broadcast %add3A_106 : i32 to vector<16xi32>
        %eq3A_144 = arith.cmpi eq, %shift_right_logical3A_143, %eq3A : vector<16xi32>
        %all_reduce_population_count3A = tpu.all_reduce %eq3A_144 {dim = 0 : i64, kind = #tpu.reduction_kind<sum>} : vector<16xi1> -> vector<16xi32>
        %slice3A = vector.extract_strided_slice %all_reduce_population_count3A {offsets = [0], sizes = [1], strides = [1]} : vector<16xi32> to vector<1xi32>
        %squeeze3A = vector.extract %slice3A[0] : i32 from vector<1xi32>
        %gt3A = arith.constant 0 : i32
        %gt3A_145 = arith.cmpi sgt, %squeeze3A, %gt3A : i32
        %convert_element_type3A_146 = arith.extui %gt3A_145 : i1 to i32
        %cond3A_147 = arith.constant 0 : i32
        %cond3A_148 = arith.cmpi ne, %convert_element_type3A_146, %cond3A_147 : i32
        scf.if %cond3A_148 {
          %shift_right_logical3A_153 = arith.constant 14 : i32
          %shift_right_logical3A_154 = vector.broadcast %shift_right_logical3A_153 : i32 to vector<16xi32>
          %shift_right_logical3A_155 = arith.shrui %get3A_140, %shift_right_logical3A_154 : vector<16xi32>
          %and3A = arith.constant 511 : i32
          %and3A_156 = vector.broadcast %and3A : i32 to vector<16xi32>
          %and3A_157 = arith.andi %shift_right_logical3A_155, %and3A_156 : vector<16xi32>
          %and3A_158 = arith.constant 16383 : i32
          %and3A_159 = vector.broadcast %and3A_158 : i32 to vector<16xi32>
          %and3A_160 = arith.andi %get3A_140, %and3A_159 : vector<16xi32>
          %rem3A = arith.constant 2 : i32
          %rem3A_161 = arith.remsi %while3A_137, %rem3A : i32
          %ge3A_162 = arith.constant 2 : i32
          %ge3A_163 = arith.cmpi sge, %while3A_137, %ge3A_162 : i32
          %convert_element_type3A_164 = arith.extui %ge3A_163 : i1 to i32
          %cond3A_165 = arith.constant 0 : i32
          %cond3A_166 = arith.cmpi ne, %convert_element_type3A_164, %cond3A_165 : i32
          scf.if %cond3A_166 {
            %dma_wait3A = arith.constant 0 : i32
            %dma_wait3A_190 = arith.constant 0 : i32
            %dma_wait3A_191 = arith.constant 0 : i32
            %dma_wait3A_192 = tpu.memref_slice %arg11[%dma_wait3A, %dma_wait3A_190, %dma_wait3A_191] : memref<2x16x128xf32, #tpu.memory_space<vmem>> -> memref<1x16x128xf32, #tpu.memory_space<vmem>>
            %dma_wait3A_193 = tpu.memref_squeeze %dma_wait3A_192 : memref<1x16x128xf32, #tpu.memory_space<vmem>> -> memref<16x128xf32, #tpu.memory_space<vmem>>
            %dma_wait3A_194 = arith.constant 0 : i32
            %dma_wait3A_195 = arith.constant 0 : i32
            %dma_wait3A_196 = tpu.memref_slice %arg4[%dma_wait3A_194, %dma_wait3A_195] : memref<64x1000000xf32, #tpu.memory_space<hbm>> -> memref<16x128xf32, #tpu.memory_space<hbm>>
            %dma_wait3A_197 = arith.constant 0 : i32
            %dma_wait3A_198 = arith.constant 0 : i32
            %dma_wait3A_199 = tpu.memref_slice %arg11[%dma_wait3A, %dma_wait3A_197, %dma_wait3A_198] : memref<2x16x128xf32, #tpu.memory_space<vmem>> -> memref<1x16x128xf32, #tpu.memory_space<vmem>>
            %dma_wait3A_200 = tpu.memref_squeeze %dma_wait3A_199 : memref<1x16x128xf32, #tpu.memory_space<vmem>> -> memref<16x128xf32, #tpu.memory_space<vmem>>
            %dma_wait3A_201 = arith.constant 0 : i32
            %dma_wait3A_202 = arith.constant 0 : i32
            %dma_wait3A_203 = tpu.memref_slice %arg4[%dma_wait3A_201, %dma_wait3A_202] : memref<64x1000000xf32, #tpu.memory_space<hbm>> -> memref<16x128xf32, #tpu.memory_space<hbm>>
            tpu.wait_dma2 semaphore(%arg15 : memref<!tpu.dma_semaphore, #tpu.memory_space<semaphore_mem>>) src(%dma_wait3A_203 : memref<16x128xf32, #tpu.memory_space<hbm>>) dst(%dma_wait3A_200 : memref<16x128xf32, #tpu.memory_space<vmem>>)
          } else {
          }
          %add3A_167 = arith.constant 16384 : i32
          %add3A_168 = vector.broadcast %add3A_167 : i32 to vector<16xi32>
          %add3A_169 = arith.addi %add3A_168, %iota3A : vector<16xi32>
          %select_n3A_170 = arith.select %eq3A_144, %and3A_160, %add3A_169 : vector<16xi1>, vector<16xi32>
          %swap3A_171 = arith.index_cast %rem3A_161 : i32 to index
          %swap3A_172 = arith.constant 0 : index
          %swap3A_173 = tpu.vector_load %arg12[%swap3A_171, %swap3A_172] {strides = array<i32>} : memref<2x16xi32, #tpu.memory_space<vmem>>, vector<16xi32>,
          tpu.vector_store %arg12[%swap3A_171, %swap3A_172], %select_n3A_170 {strides = array<i32>} : memref<2x16xi32, #tpu.memory_space<vmem>>, vector<16xi32>,
          %scan3A_174 = arith.constant 0 : i32
          %scan3A_175 = arith.constant 0 : i32
          %scan3A_176 = arith.constant 64 : i32
          %scan3A_177 = arith.addi %scan3A_175, %scan3A_176 : i32
          %scan3A_178 = arith.constant 1 : i32
          %scan3A_179 = scf.for %scan3A_190 = %scan3A_175 to %scan3A_177 step %scan3A_178 iter_args(%scan3A_191 = %scan3A_174) -> (i32)  : i32 {
            %broadcast_in_dim3A_192 = arith.constant 1 : i32
            %broadcast_in_dim3A_193 = vector.broadcast %broadcast_in_dim3A_192 : i32 to vector<16xi32>
            %broadcast_in_dim3A_194 = vector.broadcast %scan3A_190 : i32 to vector<16xi32>
            %gather3A = tpu.vector_load_idx %arg10[%broadcast_in_dim3A_193, %broadcast_in_dim3A_194, %and3A_157] : memref<2x64x512xf32, #tpu.memory_space<vmem>>[vector<16xi32>, vector<16xi32>, vector<16xi32>], vector<16xf32>,
            %broadcast_in_dim3A_195 = vector.broadcast %rem3A_161 : i32 to vector<16xi32>
            %broadcast_in_dim3A_196 = vector.broadcast %scan3A_190 : i32 to vector<16xi32>
            tpu.vector_store_idx %arg11[%broadcast_in_dim3A_195, %iota3A, %broadcast_in_dim3A_196], %gather3A : memref<2x16x128xf32, #tpu.memory_space<vmem>>[vector<16xi32>, vector<16xi32>, vector<16xi32>], vector<16xf32>,
            %scan3A_197 = arith.constant 0 : i32
            scf.yield %scan3A_197 : i32
          }
          %scan3A_180 = arith.constant 64 : i32
          %dma_start3A = arith.constant 0 : i32
          %dma_start3A_181 = arith.constant 0 : i32
          %dma_start3A_182 = tpu.memref_slice %arg11[%rem3A_161, %dma_start3A, %dma_start3A_181] : memref<2x16x128xf32, #tpu.memory_space<vmem>> -> memref<1x16x128xf32, #tpu.memory_space<vmem>>
          %dma_start3A_183 = tpu.memref_squeeze %dma_start3A_182 : memref<1x16x128xf32, #tpu.memory_space<vmem>> -> memref<16x128xf32, #tpu.memory_space<vmem>>
          %dma_start3A_184 = arith.constant 0 : i32
          %dma_start3A_185 = tpu.memref_slice %arg12[%rem3A_161, %dma_start3A_184] : memref<2x16xi32, #tpu.memory_space<vmem>> -> memref<1x16xi32, #tpu.memory_space<vmem>>
          %dma_start3A_186 = tpu.memref_squeeze %dma_start3A_185 : memref<1x16xi32, #tpu.memory_space<vmem>> -> memref<16xi32, #tpu.memory_space<vmem>>
          %dma_start3A_187 = arith.constant 0 : i32
          %dma_start3A_188 = arith.constant 0 : i32
          %dma_start3A_189 = tpu.memref_slice %arg7[%dma_start3A_187, %dma_start3A_188] : memref<16400x128xf32, #tpu.memory_space<hbm>> -> memref<16400x128xf32, #tpu.memory_space<hbm>>
          tpu.enqueue_indirect_dma source(%dma_start3A_183 : memref<16x128xf32, #tpu.memory_space<vmem>>) target(%dma_start3A_189 : memref<16400x128xf32, #tpu.memory_space<hbm>>) offsets(%dma_start3A_186 : memref<16xi32, #tpu.memory_space<vmem>>) semaphore(%arg15 : memref<!tpu.dma_semaphore, #tpu.memory_space<semaphore_mem>>)
        } else {
        }
        %gt3A_149 = arith.constant 0 : i32
        %gt3A_150 = arith.cmpi sgt, %squeeze3A, %gt3A_149 : i32
        %add3A_151 = arith.constant 1 : i32
        %add3A_152 = arith.addi %while3A_137, %add3A_151 : i32
        %select_n3A = arith.select %gt3A_150, %add3A_152, %while3A_137 : i32
        scf.yield %select_n3A : i32
      }
      scf.yield %while3A_135 : i32
    }
    %scan3A_60 = arith.constant 31 : i32
    %ge3A_61 = arith.constant 1 : i32
    %ge3A_62 = arith.cmpi sge, %scan3A_59, %ge3A_61 : i32
    %convert_element_type3A_63 = arith.extui %ge3A_62 : i1 to i32
    %cond3A_64 = arith.constant 0 : i32
    %cond3A_65 = arith.cmpi ne, %convert_element_type3A_63, %cond3A_64 : i32
    scf.if %cond3A_65 {
      %dma_wait3A = arith.constant 0 : i32
      %dma_wait3A_71 = arith.constant 0 : i32
      %dma_wait3A_72 = arith.constant 0 : i32
      %dma_wait3A_73 = tpu.memref_slice %arg11[%dma_wait3A, %dma_wait3A_71, %dma_wait3A_72] : memref<2x16x128xf32, #tpu.memory_space<vmem>> -> memref<1x16x128xf32, #tpu.memory_space<vmem>>
      %dma_wait3A_74 = tpu.memref_squeeze %dma_wait3A_73 : memref<1x16x128xf32, #tpu.memory_space<vmem>> -> memref<16x128xf32, #tpu.memory_space<vmem>>
      %dma_wait3A_75 = arith.constant 0 : i32
      %dma_wait3A_76 = arith.constant 0 : i32
      %dma_wait3A_77 = tpu.memref_slice %arg4[%dma_wait3A_75, %dma_wait3A_76] : memref<64x1000000xf32, #tpu.memory_space<hbm>> -> memref<16x128xf32, #tpu.memory_space<hbm>>
      %dma_wait3A_78 = arith.constant 0 : i32
      %dma_wait3A_79 = arith.constant 0 : i32
      %dma_wait3A_80 = tpu.memref_slice %arg11[%dma_wait3A, %dma_wait3A_78, %dma_wait3A_79] : memref<2x16x128xf32, #tpu.memory_space<vmem>> -> memref<1x16x128xf32, #tpu.memory_space<vmem>>
      %dma_wait3A_81 = tpu.memref_squeeze %dma_wait3A_80 : memref<1x16x128xf32, #tpu.memory_space<vmem>> -> memref<16x128xf32, #tpu.memory_space<vmem>>
      %dma_wait3A_82 = arith.constant 0 : i32
      %dma_wait3A_83 = arith.constant 0 : i32
      %dma_wait3A_84 = tpu.memref_slice %arg4[%dma_wait3A_82, %dma_wait3A_83] : memref<64x1000000xf32, #tpu.memory_space<hbm>> -> memref<16x128xf32, #tpu.memory_space<hbm>>
      tpu.wait_dma2 semaphore(%arg15 : memref<!tpu.dma_semaphore, #tpu.memory_space<semaphore_mem>>) src(%dma_wait3A_84 : memref<16x128xf32, #tpu.memory_space<hbm>>) dst(%dma_wait3A_81 : memref<16x128xf32, #tpu.memory_space<vmem>>)
    } else {
    }
    %ge3A_66 = arith.constant 2 : i32
    %ge3A_67 = arith.cmpi sge, %scan3A_59, %ge3A_66 : i32
    %convert_element_type3A_68 = arith.extui %ge3A_67 : i1 to i32
    %cond3A_69 = arith.constant 0 : i32
    %cond3A_70 = arith.cmpi ne, %convert_element_type3A_68, %cond3A_69 : i32
    scf.if %cond3A_70 {
      %dma_wait3A = arith.constant 0 : i32
      %dma_wait3A_71 = arith.constant 0 : i32
      %dma_wait3A_72 = arith.constant 0 : i32
      %dma_wait3A_73 = tpu.memref_slice %arg11[%dma_wait3A, %dma_wait3A_71, %dma_wait3A_72] : memref<2x16x128xf32, #tpu.memory_space<vmem>> -> memref<1x16x128xf32, #tpu.memory_space<vmem>>
      %dma_wait3A_74 = tpu.memref_squeeze %dma_wait3A_73 : memref<1x16x128xf32, #tpu.memory_space<vmem>> -> memref<16x128xf32, #tpu.memory_space<vmem>>
      %dma_wait3A_75 = arith.constant 0 : i32
      %dma_wait3A_76 = arith.constant 0 : i32
      %dma_wait3A_77 = tpu.memref_slice %arg4[%dma_wait3A_75, %dma_wait3A_76] : memref<64x1000000xf32, #tpu.memory_space<hbm>> -> memref<16x128xf32, #tpu.memory_space<hbm>>
      %dma_wait3A_78 = arith.constant 0 : i32
      %dma_wait3A_79 = arith.constant 0 : i32
      %dma_wait3A_80 = tpu.memref_slice %arg11[%dma_wait3A, %dma_wait3A_78, %dma_wait3A_79] : memref<2x16x128xf32, #tpu.memory_space<vmem>> -> memref<1x16x128xf32, #tpu.memory_space<vmem>>
      %dma_wait3A_81 = tpu.memref_squeeze %dma_wait3A_80 : memref<1x16x128xf32, #tpu.memory_space<vmem>> -> memref<16x128xf32, #tpu.memory_space<vmem>>
      %dma_wait3A_82 = arith.constant 0 : i32
      %dma_wait3A_83 = arith.constant 0 : i32
      %dma_wait3A_84 = tpu.memref_slice %arg4[%dma_wait3A_82, %dma_wait3A_83] : memref<64x1000000xf32, #tpu.memory_space<hbm>> -> memref<16x128xf32, #tpu.memory_space<hbm>>
      tpu.wait_dma2 semaphore(%arg15 : memref<!tpu.dma_semaphore, #tpu.memory_space<semaphore_mem>>) src(%dma_wait3A_84 : memref<16x128xf32, #tpu.memory_space<hbm>>) dst(%dma_wait3A_81 : memref<16x128xf32, #tpu.memory_space<vmem>>)
    } else {
    }
    return
  }
}

</mosaic_0001>

<sc_bundles>
// kernel: _extract.3.cloned.1.call-start
scs
__scs_entry_jumppad:
0x0: {  	(pc) =	sbr.rel $0x88, $3  }
0x1: {  	(tag) =	ssettag $0x0;
	lr =	simm.s32 $0x1  }
0x2: {  	[smem:$0x3F9D] =	sst lr;
	_ =	strace $0xD0000000  }
0x3: {  	_ = 	snop  }
0x4: {  	_ = 	snop  }
0x5: {  	_ = 	snop  }
0x6: {  	_ = 	snop  }
0x7: {  	_ = 	snop  }
__scs_overlays_trampoline_lowered:
0x8: {  	[smem:$0x3FAC] =	sst s0  }
0x9: {  	[smem:$0x3FAD] =	sst s1  }
0xa: {  	[smem:$0x3FAE] =	sst s2  }
0xb: {  	[smem:$0x3FAF] =	sst s3  }
0xc: {  	[smem:$0x3FB0] =	sst s4  }
0xd: {  	[smem:$0x3FB1] =	sst s5  }
0xe: {  	[smem:$0x3FB2] =	sst s6  }
0xf: {  	[smem:$0x3FB3] =	sst s7  }
0x10: {  	[smem:$0x3FB4] =	sst s8  }
0x11: {  	[smem:$0x3FB5] =	sst s9;
	s0 =	simm.s32 @!p0 $0x0  }
0x12: {  	s1 =	sld [smem:$0x3F9B];
	s0 =	simm.s32 @p0 $0x1  }
0x13: {  	[smem:$0x3FB6] =	sst s0;
	s0 =	simm.s32 @!p1 $0x0  }
0x14: {  	s2 =	sld [smem:$0x3F9A];
	s0 =	simm.s32 @p1 $0x1  }
0x15: {  	[smem:$0x3FB7] =	sst s0;
	s0 =	simm.s32 @!p2 $0x0  }
0x16: {  	s3 =	sld [smem:$0x3FDB];
	s0 =	simm.s32 @p2 $0x1  }
0x17: {  	s4 =	simm.s32 $0x1BF5;
	[smem:$0x3FB9] =	sst s0  }
0x18: {  	s0 =	sld [smem:$0x3F9C];
	_ =	swait.ge [sflag:s4], $0x0  }
0x19: {  	s7 =	sld [smem:$0x3F9D]  }
0x1a: {  	s8 =	sadd.s32 $0xFFFFE003, lr  }
0x1b: {  	s9 =	sadd.s32 $0xFFFFFEF7, lr;
	s5 =	simm.s32 $0xFFFFFFFF;
	p2 =	slt.u32 s8, $0xFFFFF086  }
0x1c: {  	p1 =	slt.u32 s9, $0xF7A;
	s5 =	simm.s32 @!p2 $0x0  }
0x1d: {  	s5 =	simm.s32 @p1 $0x1;
	p0 =	seq.s32 s7, s2  }
0x1e: {  	s7 =	smul.u32 @!p0 $0xF7A, s2;
	p2 =	seq.s32 @!p0 s5, $0x0  }
0x1f: {  	s9 =	smul.u32 $0xF7A, s1;
	s8 =	simm.s32 @!p0 $0x1BF5;
	p2 =	por !p2, p0  }
0x20: {  	[sflag:s8] =	ssyncset.s32 @!p0 $0xFFFFF086;
	s6 =	sadd.s32 @!p0 s3, s7;
	s7 =	simm.s32 @!p0 $0x108  }
0x21: {  	s3 =	sadd.s32 s3, s9;
	s6 =	sadd.s32 @!p0 $0x88, s6;
	s7 =	simm.s32 @p2 $0x1082  }
0x22: {  	[simem:s7], [sflag:s8] =	dma.local @!p0 [hbm:s6], $0xF7A  }
0x23: {  	s9 =	sor.u32 $0xD0000000, s2;
	s6 =	simm.s32 $0x108;
	_ =	swait.ge @!p0 [sflag:s8], $0x0  }
0x24: {  	s3 =	sadd.s32 $0x88, s3;
	s6 =	simm.s32 @!p1 $0x1082;
	[sflag:s4] =	ssyncset.s32 $0xFFFFF086  }
0x25: {  	[simem:s6], [sflag:s4] =	dma.local [hbm:s3], $0xF7A  }
0x26: {  	[smem:$0x3F9D] =	sst s1;
	(tag) =	ssettag s2;
	_ =	strace s9  }
0x27: {  	s1 =	sld [smem:$0x3FAD]  }
0x28: {  	s2 =	sld [smem:$0x3FAE]  }
0x29: {  	s4 =	sld [smem:$0x3FB0]  }
0x2a: {  	p0 =	seq.s32 s5, $0x0;
	s5 =	sld [smem:$0x3FB1]  }
0x2b: {  	s6 =	sld [smem:$0x3FB2]  }
0x2c: {  	s7 =	sld [smem:$0x3FB3]  }
0x2d: {  	s3 =	simm.s32 $0x108;
	s8 =	sld [smem:$0x3FB4]  }
0x2e: {  	s3 =	simm.s32 @!p0 $0x1082;
	s9 =	sld [smem:$0x3FB5]  }
0x2f: {  	lr =	sadd.s32 s0, s3;
	s0 =	sld [smem:$0x3FAC]  }
0x30: {  	s3 =	sld [smem:$0x3FAF]  }
0x31: {  	[smem:$0x3FB8] =	sst s10  }
0x32: {  	s10 =	sld [smem:$0x3FB6];
	_ =	sdelay $0x3  }
0x33: {  	p0 =	seq.s32 s10, $0x1;
	s10 =	sld [smem:$0x3FB8];
	_ =	sdelay $0x3  }
0x34: {  	[smem:$0x3FB8] =	sst s10  }
0x35: {  	s10 =	sld [smem:$0x3FB7];
	_ =	sdelay $0x3  }
0x36: {  	p1 =	seq.s32 s10, $0x1;
	s10 =	sld [smem:$0x3FB8];
	_ =	sdelay $0x3  }
0x37: {  	[smem:$0x3FB8] =	sst s10  }
0x38: {  	s10 =	sld [smem:$0x3FB9]  }
0x39: {  	_ = 	snop;
	(pc) =	sbr.ind lr, $3  }
0x3a: {  	_ = 	snop  }
0x3b: {  	_ = 	snop  }
0x3c: {  	p2 =	seq.s32 s10, $0x1;
	s10 =	sld [smem:$0x3FB8]  }
0x3d: {  	_ =	shalt  }
0x3e: {  	_ =	shalt  }
0x3f: {  	_ =	shalt  }
0x40: {  	_ =	shalt  }
0x41: {  	_ =	shalt  }
0x42: {  	_ =	shalt  }
0x43: {  	_ =	shalt  }
0x44: {  	_ =	shalt  }
0x45: {  	_ =	shalt  }
0x46: {  	_ =	shalt  }
0x47: {  	_ =	shalt  }
0x48: {  	_ =	shalt  }
0x49: {  	_ =	shalt  }
0x4a: {  	_ =	shalt  }
0x4b: {  	_ =	shalt  }
0x4c: {  	_ =	shalt  }
0x4d: {  	_ =	shalt  }
0x4e: {  	_ =	shalt  }
0x4f: {  	_ =	shalt  }
0x50: {  	_ =	shalt  }
0x51: {  	_ =	shalt  }
0x52: {  	_ =	shalt  }
0x53: {  	_ =	shalt  }
0x54: {  	_ =	shalt  }
0x55: {  	_ =	shalt  }
0x56: {  	_ =	shalt  }
0x57: {  	_ =	shalt  }
0x58: {  	_ =	shalt  }
0x59: {  	_ =	shalt  }
0x5a: {  	_ =	shalt  }
0x5b: {  	_ =	shalt  }
0x5c: {  	_ =	shalt  }
0x5d: {  	_ =	shalt  }
0x5e: {  	_ =	shalt  }
0x5f: {  	_ =	shalt  }
0x60: {  	_ =	shalt  }
0x61: {  	_ =	shalt  }
0x62: {  	_ =	shalt  }
0x63: {  	_ =	shalt  }
0x64: {  	_ =	shalt  }
0x65: {  	_ =	shalt  }
0x66: {  	_ =	shalt  }
0x67: {  	_ =	shalt  }
0x68: {  	_ =	shalt  }
0x69: {  	_ =	shalt  }
0x6a: {  	_ =	shalt  }
0x6b: {  	_ =	shalt  }
0x6c: {  	_ =	shalt  }
0x6d: {  	_ =	shalt  }
0x6e: {  	_ =	shalt  }
0x6f: {  	_ =	shalt  }
0x70: {  	_ =	shalt  }
0x71: {  	_ =	shalt  }
0x72: {  	_ =	shalt  }
0x73: {  	_ =	shalt  }
0x74: {  	_ =	shalt  }
0x75: {  	_ =	shalt  }
0x76: {  	_ =	shalt  }
0x77: {  	_ =	shalt  }
0x78: {  	_ =	shalt  }
0x79: {  	_ =	shalt  }
0x7a: {  	_ =	shalt  }
0x7b: {  	_ =	shalt  }
0x7c: {  	_ =	shalt  }
0x7d: {  	_ =	shalt  }
0x7e: {  	_ =	shalt  }
0x7f: {  	_ =	shalt  }
0x80: {  	_ =	shalt  }
0x81: {  	_ =	shalt  }
0x82: {  	_ =	shalt  }
0x83: {  	_ =	shalt  }
0x84: {  	_ =	shalt  }
0x85: {  	_ =	shalt  }
0x86: {  	_ =	shalt  }
0x87: {  	_ =	shalt  }
.Lfunc_end0:
.L_simem_size_0:
called_computation_lowered:
.L_overlay_start_0:
0x88: {  	s2 =	sld [smem:$0x3FD9]  }
0x89: {  	s3 =	sld [smem:$0x3FFE];
	_ =	sdelay $0x1  }
0x8a: {  	s1 =	srdreg.scid  }
0x8b: {  	s0 =	sand.u32 $0x1, s1  }
0x8c: {  	s15 =	sshll.u32 s0, $0xA;
	s2 =	sadd.s32 s3, s2  }
0x8d: {  	s2 =	sadd.s32 s2, s15  }
0x8e: {  	[smem:$0x3FC4] =	sst s2  }
0x8f: {  	_ = 	snop  }
0x90: {  	s2 =	sld [smem:$0x3FC9]  }
0x91: {  	s16 =	sld [smem:$0x3FD0]  }
0x92: {  	s4 =	sld [smem:$0x3FC8]  }
0x93: {  	s5 =	sld [smem:$0x3FC7]  }
0x94: {  	s7 =	simm.s32 $0xA;
	s8 =	simm.s32 $0x10;
	s6 =	sld [smem:$0x3FC6]  }
0x95: {  	[smem:s8], [sflag:s7] =	dma.local [hbm:s16], $0x1  }
0x96: {  	_ =	swait.eq [sflag:s7], $0x1  }
0x97: {  	[sflag:s7] =	ssyncset.done $0x0  }
0x98: {  	s17 =	sld [smem:$0x10];
	[sflag:s7] =	ssyncadd.s32 $0xFFFFFFFF  }
0x99: {  	s18 =	sld [smem:$0x11];
	(tm) =	ssettm $0x1  }
0x9a: {  	s19 =	sld [smem:$0x3FFB];
	_ =	sdelay $0x3  }
0x9b: {  	_ =	strace s19  }
0x9c: {  	s8 =	sld [smem:$0x3FFC];
	_ =	sdelay $0x3  }
0x9d: {  	_ =	strace s8  }
0x9e: {  	s8 =	sld [smem:$0x3FFD];
	_ =	sdelay $0x3  }
0x9f: {  	_ =	strace s8  }
0xa0: {  	_ =	strace $0x8FFFFFFF  }
0xa1: {  	s20 =	sld [smem:$0x3FDB];
	_ =	sdelay $0x1  }
0xa2: {  	s9 =	simm.s32 $_scs_section_size  }
0xa3: {  	s10 =	simm.s32 $_size__tile_overlayer_lowered;
	s11 =	simm.s32 $_tile_overlayer_lowered  }
0xa4: {  	s23 =	simm.s32 $0x1BFF;
	s22 =	sshll.u32 s11, $0x1;
	s8 =	sadd.s32 s9, s20  }
0xa5: {  	s12 =	simm.s32 $0x0;
	s21 =	sshll.u32 s10, $0x1;
	s10 =	sadd.s32 s22, s8  }
0xa6: {  	[timem:s12], [sflag:s23] =	dma.local [hbm:s10], s21  }
0xa7: {  	_ =	swait.ge [sflag:s23], s21  }
0xa8: {  	s9 =	ssub.s32 $0x0, s21;
	[sflag:s23] =	ssyncset.done $0x0  }
0xa9: {  	[sflag:s23] =	ssyncadd.s32 s9;
	_ =	sdelay $0x1  }
0xaa: {  	s24 =	simm.s32 $0x1B8B  }
0xab: {  	_ =	swait.ge [sflag:s24], $0x1  }
0xac: {  	[sflag:s24] =	ssyncset.done $0x0  }
0xad: {  	s25 =	simm.s32 $0x1B8E;
	[sflag:s24] =	ssyncadd.s32 $0xFFFFFFFF  }
0xae: {  	s26 =	simm.s32 $execute0_lowered;
	[smem:$0x3FD2] =	sst s25  }
0xaf: {  	s9 =	sshll.u32 s26, $0x1;
	_ =	strace $0x80000046;
	[dreg:$0x1] =	wrdreg $0xFFFFFFFF  }
0xb0: {  	s28 =	simm.s32 $_size_execute0_lowered;
	s8 =	sadd.s32 s8, s9;
	[dreg:$0x0] =	wrdreg $0x0  }
0xb1: {  	s9 =	sshll.u32 s28, $0x1;
	[dreg:$0x2] =	wrdreg s8  }
0xb2: {  	[dreg:$0x3] =	wrdreg s9  }
0xb3: {  	[dreg:$0x4] =	wrdreg $0xC0  }
0xb4: {  	_ =	task [dreg:s12], $0x5FFFF  }
0xb5: {  	[dreg:$0x1] =	wrdreg $0xFFFFFFFF  }
0xb6: {  	[dreg:$0x0] =	wrdreg $0x60  }
0xb7: {  	[dreg:$0x2] =	wrdreg s2  }
0xb8: {  	[dreg:$0x3] =	wrdreg s4  }
0xb9: {  	[dreg:$0x4] =	wrdreg s5  }
0xba: {  	[dreg:$0x5] =	wrdreg s6  }
0xbb: {  	[dreg:$0x6] =	wrdreg s17  }
0xbc: {  	[dreg:$0x7] =	wrdreg s18  }
0xbd: {  	[dreg:$0x8] =	wrdreg $0x9  }
0xbe: {  	_ =	task.clear_ibuf [dreg:s12], $0x9FFFF;
	_ =	strace $0x90000046  }
0xbf: {  	s29 =	simm.s32 $0x9;
	_ =	strace $0x80000048  }
0xc0: {  	_ =	swait.ge [sflag:s29], $0x1  }
0xc1: {  	[sflag:s29] =	ssyncadd.s32 $0xFFFFFFFF  }
0xc2: {  	_ =	strace $0x90000048  }
0xc3: {  	_ =	sfence  }
0xc4: {  	s30 =	sld [smem:$0x0];
	_ =	sdelay $0x2  }
0xc5: {  	s31 =	sshll.u32 s1, $0xD;
	s1 =	sshrl.u32 s1, $0x2  }
0xc6: {  	s3 =	sand.u32 $0x4000, s31;
	s1 =	sadd.s32 s1, s30  }
0xc7: {  	s0 =	sor.u32 s3, s0;
	s1 =	sshll.u32 s1, $0x11  }
0xc8: {  	s0 =	sor.u32 s1, s0  }
0xc9: {  	s0 =	sadd.s32 $0x8F2B, s0  }
0xca: {  	[sflag:s0] =	ssyncadd.remote.s32 $0x1  }
0xcb: {  	_ =	sfence.sel $0xFFFF  }
0xcc: {  	[dreg:$0x0] =	wrdreg $0xFFFFFFFF;
	(pc) =	sbr.abs _section_cstart, $3  }
0xcd: {  	[dreg:$0x1] =	wrdreg $0xFFFFFFFF  }
0xce: {  	_ =	task.clear_ibuf [dreg:s12], $0x2FFFF;
	_ =	strace $0x9FFFFFFF  }
0xcf: {  	(tm) =	ssettm $0x7FFFFFFF  }
tec
execute0_lowered:
.L_overlay_start_1:
0x0: {  	(tag) =	ssettag $0x1  }
0x1: {  	s0 =	rddreg [dreg:$0x0]  }
0x2: {  	s2 =	rddreg [dreg:$0x1]  }
0x3: {  	s3 =	rddreg [dreg:$0x2]  }
0x4: {  	s4 =	rddreg [dreg:$0x3]  }
0x5: {  	s6 =	rddreg [dreg:$0x4]  }
0x6: {  	s7 =	rddreg [dreg:$0x5];
	s1 =	srdreg.scid  }
0x7: {  	s9 =	stileid.u32;
	s8 =	simm.s32 $0x0;
	s14 =	simm.s32 $0x4  }
0x8: {  	s15 =	simm.s32 $0x1000;
	s16 =	simm.s32 $0x7A1400;
	s17 =	simm.s32 $0x8080  }
0x9: {  	s18 =	simm.s32 $0x1;
	s19 =	simm.s32 $0x18080;
	s20 =	simm.s32 $0x10  }
.Ltmp0:
0xa: {  	s21 =	simm.s32 $0x0;
	s1 =	sand.u32 $0x1, s1;
	(pc) =	sbr.rel .LBB2_1-.Ltmp0, $4  }
0xb: {  	s9 =	sshll.u32 s9, $0x1;
	[smem:$0x7FF] =	sst s8;
	s5 =	ssub.s32 $0x2, s1  }
0xc: {  	s9 =	sor.u32 s1, s9;
	_ =	strace $0x80000047;
	s10 =	sshrl.u32 s5, $0x1  }
0xd: {  	v1 =	vlaneseq.u32;
	v2 =	vimm.s32 $0x1F800000;
	s31 =	sshll.u32 s9, $0x9;
	s11 =	sor.u32 $0x40, s9;
	s30 =	ssub.s32 s5, s10  }
0xe: {  	v3 =	vor.u32 $0x4000, v1;
	v4 =	vmul.u32 $0x80, v1;
	v0 =	vmov s9;
	s10 =	sadd.s32 s3, s31;
	s12 =	sadd.s32 s4, s31;
	s13 =	smax.u32 s30, $0x1  }
.LBB2_37:
0xf: {  	p0 =	slt.s32 s22, $0x1  }
0x10: {  	s1 =	simm.s32 @!p0 $0x3  }
0x11: {  	_ =	swait.ge @!p0 [sflag:s1], $0x800  }
0x12: {  	s21 =	sadd.s32 $0x1, s21;
	p1 =	seq.s32 @!p0 s22, $0x1;
	[sflag:s1] =	ssyncset.done @!p0 $0x0  }
0x13: {  	p1 =	por p1, p0;
	[sflag:s1] =	ssyncadd.s32 @!p0 $0xFFFFF800;
	p0 =	sne.s32 s21, s13  }
.Ltmp1:
0x14: {  	_ = 	snop;
	(pc) =	sbr.rel @!p0 .LBB2_38-.Ltmp1, $4  }
0x15: {  	s1 =	simm.s32 @!p1 $0x3  }
0x16: {  	_ =	swait.ge @!p1 [sflag:s1], $0x800  }
0x17: {  	[sflag:s1] =	ssyncset.done @!p1 $0x0  }
0x18: {  	[sflag:s1] =	ssyncadd.s32 @!p1 $0xFFFFF800  }
.LBB2_1:
0x19: {  	[tilespmem:s8], [sflag:$0x4] =	stream.linear.gather [hbm4b:s0+s8], $0x4000, $0x38;
	[tilespmem:$0x19180] =	vst v63  }
0x1a: {  	_ =	swait.ge [sflag:s14], $0x4000  }
0x1b: {  	[sflag:s14] =	ssyncset.done $0x0  }
0x1c: {  	[sflag:s14] =	ssyncadd.s32 $0xFFFFC000  }
0x1d: {  	v5 =	vld [tilespmem:s8+$0x0];
	_ =	sdelay $0x4  }
0x1e: {  	v6 =	vshrl.u32 v5, $0x9  }
0x1f: {  	v6 =	vand.u32 $0x1F, v6  }
0x20: {  	vm1 =	vlt.s32 v5, $0xF4200;
	vm0 =	veq.s32 v6, v0  }
0x21: {  	vm0 =	vmand vm1, vm0  }
0x22: {  	v6 =	vshll.u32 v5, $0xE;
	v7 =	vmpcnt.ones.xlane vm0  }
0x23: {  	v5 =	vshll.u32 v5, $0x9;
	v6 =	vand.u32 $0x7FC000, v6  }
0x24: {  	v5 =	vand.u32 $0xFF800000, v5;
	v6 =	vor.u32 s8, v6;
	(v2sf) =	vpush v7, $0x0  }
0x25: {  	v5 =	vor.u32 v5, v6  }
0x26: {  	v5 =	vor.u32 v1, v5  }
0x27: {  	s22 =	simm.s32 $0x10;
	[tilespmem:s8+$0x4000] =	vst.msk vm0, v5  }
0x28: {  	v5 =	vld [tilespmem:s22+$0x0];
	_ =	sdelay $0x4  }
0x29: {  	v6 =	vshrl.u32 v5, $0x9  }
0x2a: {  	v6 =	vand.u32 $0x1F, v6  }
0x2b: {  	v7 =	vshll.u32 v5, $0xE;
	vm1 =	vlt.s32 v5, $0xF4200;
	vm0 =	veq.s32 v6, v0  }
0x2c: {  	v5 =	vshll.u32 v5, $0x9;
	v6 =	vand.u32 $0x7FC000, v7;
	vm0 =	vmand vm1, vm0  }
0x2d: {  	v5 =	vand.u32 $0xFF800000, v5;
	v6 =	vor.u32 s22, v6;
	v7 =	vmpcnt.ones.xlane vm0  }
0x2e: {  	v5 =	vor.u32 v5, v6  }
0x2f: {  	s23 =	simm.s32 $0x20;
	s1 =	simm.s32 $0x0;
	v5 =	vor.u32 v1, v5;
	(v2sf) =	vpush v7, $0x0;
	s5 =	spop (v2sf)  }
.LBB2_2:
0x30: {  	p0 =	sne.s32 s23, $0x3FF0  }
0x31: {  	s1 =	sadd.s32 s1, s5;
	s5 =	smov.u32 s23;
	s23 =	sadd.s32 $0x10, s23  }
0x32: {  	[tilespmem:s1+$0x4000] =	vst.msk vm0, v5  }
0x33: {  	s22 =	sadd.s32 $0x10, s22  }
0x34: {  	v5 =	vld [tilespmem:s22+$0x0];
	_ =	sdelay $0x4  }
0x35: {  	v6 =	vshrl.u32 v5, $0x9;
	v7 =	vshll.u32 v5, $0x9;
	v8 =	vshll.u32 v5, $0xE  }
0x36: {  	v6 =	vand.u32 $0x1F, v6;
	v7 =	vand.u32 $0xFF800000, v7;
	v8 =	vand.u32 $0x7FC000, v8  }
.Ltmp2:
0x37: {  	vm1 =	vlt.s32 v5, $0xF4200;
	vm0 =	veq.s32 v6, v0;
	v5 =	vor.u32 s5, v8;
	(pc) =	sbr.rel @p0 .LBB2_2-.Ltmp2, $3  }
0x38: {  	vm0 =	vmand vm1, vm0;
	v5 =	vor.u32 v7, v5  }
0x39: {  	v5 =	vor.u32 v1, v5;
	v6 =	vmpcnt.ones.xlane vm0;
	_ =	sdelay $0x1  }
0x3a: {  	(v2sf) =	vpush v6, $0x0;
	s5 =	spop (v2sf)  }
0x3b: {  	_ =	sdelay $0xd  }
0x3c: {  	s1 =	sadd.s32 s1, s5;
	s31 =	spop (v2sf)  }
.Ltmp3:
0x3d: {  	[tilespmem:s1+$0x4000] =	vst.msk vm0, v5;
	s1 =	sadd.s32 s1, s31;
	(pc) =	sbr.rel .LBB2_4-.Ltmp3, $4  }
0x3e: {  	[tilespmem:s1+$0x4000] =	vst v2;
	s1 =	sadd.s32 $0xF, s1  }
0x3f: {  	[tilespmem:s17], [sflag:$0x1] =	stream.strided.gather [hbm4b:s10+s15], $0x8000, s16, s15, $0x38;
	[tilespmem:$0x19180] =	vst v63  }
0x40: {  	s23 =	sshrl.u32 s1, $0x4  }
0x41: {  	s22 =	simm.s32 $0x0;
	s24 =	simm.s32 $0x0;
	p0 =	seq.s32 s23, $0x0  }
.LBB2_18:
0x42: {  	s24 =	sadd.s32 $0x1, s24  }
0x43: {  	p1 =	sne.s32 s24, $0x1F  }
.Ltmp4:
0x44: {  	_ = 	snop;
	(pc) =	sbr.rel @!p1 .LBB2_19-.Ltmp4, $1  }
0x45: {  	_ =	sdelay $0x3  }
.LBB2_4:
0x46: {  	s25 =	sshllo.u32 s24, $0x1  }
0x47: {  	s1 =	sshll.u32 s25, $0x5  }
0x48: {  	s1 =	sor.u32 s9, s1  }
0x49: {  	p1 =	sgt.u32 s1, $0x7A0  }
0x4a: {  	s1 =	sshll.u32 @!p1 s1, $0x9;
	s5 =	simm.s32 @!p1 $0x1000;
	s26 =	simm.s32 @!p1 $0x7A1400  }
.Ltmp5:
0x4b: {  	s28 =	simm.s32 @!p1 $0x10080;
	s1 =	sadd.s32 @!p1 s3, s1;
	(pc) =	sbr.rel @p0 .LBB2_11-.Ltmp5, $4  }
0x4c: {  	[tilespmem:s28], [sflag:$0x2] =	stream.strided.gather @!p1 [hbm4b:s1+s5], $0x8000, s26, s5, $0x38;
	[tilespmem:$0x19180] =	vst v63  }
0x4d: {  	_ =	swait.ge [sflag:s18], $0x8000  }
0x4e: {  	[sflag:s18] =	ssyncset.done $0x0  }
0x4f: {  	[sflag:s18] =	ssyncadd.s32 $0xFFFF8000  }
.Ltmp6:
0x50: {  	(pc) =	sbr.rel .LBB2_6-.Ltmp6, $3  }
0x51: {  	_ =	sdelay $0x1  }
0x52: {  	s1 =	sshll.u32 s24, $0x1  }
0x53: {  	s26 =	simm.s32 $0x0;
	v5 =	vmov s1  }
.LBB2_10:
0x54: {  	p2 =	sgt.s32 s28, $0x0;
	s1 =	simm.s32 $0x1;
	s26 =	sadd.s32 $0x1, s26  }
0x55: {  	s1 =	simm.s32 @!p2 $0x0;
	p2 =	sne.s32 s26, s23  }
.Ltmp7:
0x56: {  	_ = 	snop;
	(pc) =	sbr.rel @!p2 .LBB2_11-.Ltmp7, $2  }
0x57: {  	_ =	sdelay $0x2  }
0x58: {  	s22 =	sadd.s32 s1, s22  }
.LBB2_6:
0x59: {  	s1 =	sshll.u32 s26, $0x6  }
0x5a: {  	s1 =	sshra.s32 s1, $0x2  }
0x5b: {  	v7 =	vld [tilespmem:s1+$0x4000];
	_ =	sdelay $0x4  }
0x5c: {  	v6 =	vshrl.u32 v7, $0x17  }
0x5d: {  	vm0 =	veq.s32 v6, v5  }
0x5e: {  	v6 =	vmpcnt.ones.xlane vm0;
	_ =	sdelay $0x1  }
0x5f: {  	(v2sf) =	vpush v6, $0x0;
	_ =	sdelay $0xe  }
0x60: {  	s28 =	spop (v2sf)  }
0x61: {  	p2 =	slt.s32 s28, $0x1  }
.Ltmp8:
0x62: {  	_ = 	snop;
	(pc) =	sbr.rel @p2 .LBB2_10-.Ltmp8, $1  }
0x63: {  	_ =	sdelay $0x3  }
0x64: {  	s5 =	simm.s32 $0x0  }
0x65: {  	v6 =	vshrl.u32 v7, $0xE;
	v8 =	vshrl.u32 v7, $0xB;
	v9 =	vmov s5  }
0x66: {  	v6 =	vand.u32 $0x7F, v6;
	v8 =	vand.u32 $0xC00, v8;
	v10 =	vshll.u32 v9, $0x9  }
0x67: {  	s1 =	sshrl.u32 s22, $0x1F;
	v6 =	vor.u32 v8, v6;
	v9 =	vshll.u32 v9, $0x7;
	v8 =	vand.u32 $0x7000, v10  }
0x68: {  	p2 =	slt.s32 s22, $0x2;
	s1 =	sadd.s32 s1, s22;
	v9 =	vand.u32 $0x380, v9;
	v8 =	vor.u32 v8, v6  }
0x69: {  	s31 =	simm.s32 @!p2 $0x3;
	s1 =	sand.u32 $0xFFFFFFFE, s1;
	v8 =	vor.u32 v9, v8  }
0x6a: {  	s30 =	simm.s32 $0x1;
	_ =	swait.ge @!p2 [sflag:s31], $0x800;
	s29 =	ssub.s32 s22, s1  }
0x6b: {  	v7 =	vand.u32 $0x3FFF, v7;
	[sflag:s31] =	ssyncset.done @!p2 $0x0;
	s1 =	sshll.u32 s29, $0x9;
	v9 =	vmov s30  }
0x6c: {  	v7 =	vsel vm0, v7, v3;
	[sflag:s31] =	ssyncadd.s32 @!p2 $0xFFFFF800;
	s31 =	sshra.s32 s1, $0x2;
	s1 =	sshll.u32 s29, $0xB;
	v10 =	vshll.u32 v9, $0x9  }
0x6d: {  	v9 =	vshll.u32 v9, $0x7;
	[tilespmem:s31+$0x19080] =	vst v7;
	v7 =	vor.u32 s1, v4;
	v10 =	vand.u32 $0x7000, v10  }
0x6e: {  	v9 =	vand.u32 $0x380, v9;
	v11 =	vor.u32 v10, v6;
	v10 =	vor.u32 s5, v7;
	v8 =	vld.idx.msk [tilespmem:v8+s17+$0x0], $0xffff  }
0x6f: {  	v9 =	vor.u32 v9, v11;
	_ =	sdelay $0x1  }
0x70: {  	s1 =	simm.s32 $0x2  }
0x71: {  	s31 =	sadd.s32 $0x19080, s31;
	s5 =	simm.s32 $0x3;
	v11 =	vmov s1  }
.LBB2_8:
0x72: {  	p2 =	sne.s32 s5, $0x3F;
	v12 =	vshll.u32 v11, $0x9;
	[tilespmem:v10+s19+$0x0] =	vst.idx.msk $0xffff, v8  }
0x73: {  	v11 =	vshll.u32 v11, $0x7;
	v10 =	vand.u32 $0x7000, v12;
	v8 =	vld.idx.msk [tilespmem:v9+s17+$0x0], $0xffff  }
.Ltmp9:
0x74: {  	v9 =	vand.u32 $0x380, v11;
	v11 =	vor.u32 v10, v6;
	v10 =	vor.u32 s30, v7;
	s30 =	smov.u32 s1;
	s1 =	smov.u32 s5;
	(pc) =	sbr.rel @p2 .LBB2_8-.Ltmp9, $2  }
0x75: {  	v9 =	vor.u32 v9, v11;
	_ =	sdelay $0x2  }
0x76: {  	s5 =	sadd.s32 $0x1, s5;
	v11 =	vmov s1  }
0x77: {  	_ =	sdelay $0x2  }
0x78: {  	v12 =	vshll.u32 v11, $0x9  }
0x79: {  	[tilespmem:v10+s19+$0x0] =	vst.idx.msk $0xffff, v8;
	v62 =	vshll.u32 v11, $0x7;
	v61 =	vand.u32 $0x7000, v12  }
0x7a: {  	v63 =	vor.u32 s30, v7;
	v9 =	vld.idx.msk [tilespmem:v9+s17+$0x0], $0xffff;
	v10 =	vand.u32 $0x380, v62;
	v6 =	vor.u32 v61, v6  }
0x7b: {  	v6 =	vor.u32 v10, v6;
	_ =	sdelay $0x3  }
0x7c: {  	[tilespmem:v63+s19+$0x0] =	vst.idx.msk $0xffff, v9  }
0x7d: {  	v7 =	vor.u32 s1, v7;
	v6 =	vld.idx.msk [tilespmem:v6+s17+$0x0], $0xffff;
	_ =	sdelay $0x1  }
.Ltmp10:
0x7e: {  	_ = 	snop;
	(pc) =	sbr.rel .LBB2_10-.Ltmp10, $4  }
0x7f: {  	s30 =	sshll.u32 s29, $0xD  }
0x80: {  	s1 =	sshra.s32 s30, $0x2  }
0x81: {  	s1 =	sadd.s32 $0x18080, s1;
	[tilespmem:v7+s19+$0x0] =	vst.idx.msk $0xffff, v6  }
0x82: {  	[hbm4b:s6+s20] =	stream.indirect.scatter [tilespmem:s1], [sflag:$0x3], $0x80, s31, s20, $0xb8;
	[tilespmem:$0x19180] =	vst v63  }
.LBB2_11:
0x83: {  	s1 =	sshll.u32 s24, $0x6  }
0x84: {  	s1 =	sadd.s32 s11, s1  }
0x85: {  	p2 =	sgt.u32 s1, $0x7A0  }
0x86: {  	s1 =	sshll.u32 @!p2 s1, $0x9;
	s5 =	simm.s32 @!p2 $0x1000  }
0x87: {  	s26 =	simm.s32 @!p2 $0x7A1400;
	s28 =	simm.s32 @!p2 $0x8080;
	s1 =	sadd.s32 @!p2 s3, s1  }
0x88: {  	[tilespmem:s28], [sflag:$0x1] =	stream.strided.gather @!p2 [hbm4b:s1+s5], $0x8000, s26, s5, $0x38;
	[tilespmem:$0x19180] =	vst v63  }
.Ltmp11:
0x89: {  	_ = 	snop;
	(pc) =	sbr.rel @p0 .LBB2_18-.Ltmp11, $4  }
0x8a: {  	s1 =	simm.s32 @!p1 $0x2  }
0x8b: {  	_ =	swait.ge @!p1 [sflag:s1], $0x8000  }
0x8c: {  	[sflag:s1] =	ssyncset.done @!p1 $0x0  }
0x8d: {  	[sflag:s1] =	ssyncadd.s32 @!p1 $0xFFFF8000  }
.Ltmp12:
0x8e: {  	(pc) =	sbr.rel .LBB2_13-.Ltmp12, $2  }
0x8f: {  	_ =	sdelay $0x2  }
0x90: {  	v5 =	vmov s25;
	s25 =	simm.s32 $0x0  }
.LBB2_17:
0x91: {  	p1 =	sgt.s32 s26, $0x0;
	s1 =	simm.s32 $0x1;
	s25 =	sadd.s32 $0x1, s25  }
0x92: {  	s1 =	simm.s32 @!p1 $0x0;
	p1 =	sne.s32 s25, s23  }
.Ltmp13:
0x93: {  	_ = 	snop;
	(pc) =	sbr.rel @!p1 .LBB2_18-.Ltmp13, $2  }
0x94: {  	_ =	sdelay $0x2  }
0x95: {  	s22 =	sadd.s32 s1, s22  }
.LBB2_13:
0x96: {  	s1 =	sshll.u32 s25, $0x6  }
0x97: {  	s1 =	sshra.s32 s1, $0x2  }
0x98: {  	v7 =	vld [tilespmem:s1+$0x4000];
	_ =	sdelay $0x4  }
0x99: {  	v6 =	vshrl.u32 v7, $0x17  }
0x9a: {  	vm0 =	veq.s32 v6, v5  }
0x9b: {  	v6 =	vmpcnt.ones.xlane vm0;
	_ =	sdelay $0x1  }
0x9c: {  	(v2sf) =	vpush v6, $0x0;
	_ =	sdelay $0xe  }
0x9d: {  	s26 =	spop (v2sf)  }
0x9e: {  	p1 =	slt.s32 s26, $0x1  }
.Ltmp14:
0x9f: {  	_ = 	snop;
	(pc) =	sbr.rel @p1 .LBB2_17-.Ltmp14, $1  }
0xa0: {  	_ =	sdelay $0x3  }
0xa1: {  	v6 =	vshrl.u32 v7, $0xE;
	v8 =	vshrl.u32 v7, $0xB;
	s5 =	simm.s32 $0x0  }
0xa2: {  	v6 =	vand.u32 $0x7F, v6;
	v8 =	vand.u32 $0xC00, v8;
	v9 =	vmov s5  }
0xa3: {  	v6 =	vor.u32 v6, v8;
	v8 =	vshll.u32 v9, $0x9  }
0xa4: {  	s1 =	sshrl.u32 s22, $0x1F;
	v9 =	vshll.u32 v9, $0x7;
	v6 =	vor.u32 $0x8000, v6;
	v8 =	vand.u32 $0x7000, v8  }
0xa5: {  	p1 =	slt.s32 s22, $0x2;
	s1 =	sadd.s32 s1, s22;
	v9 =	vand.u32 $0x380, v9;
	v8 =	vor.u32 v8, v6  }
0xa6: {  	s30 =	simm.s32 @!p1 $0x3;
	s1 =	sand.u32 $0xFFFFFFFE, s1;
	v8 =	vor.u32 v9, v8  }
0xa7: {  	s29 =	simm.s32 $0x1;
	_ =	swait.ge @!p1 [sflag:s30], $0x800;
	s28 =	ssub.s32 s22, s1  }
0xa8: {  	v7 =	vand.u32 $0x3FFF, v7;
	[sflag:s30] =	ssyncset.done @!p1 $0x0;
	s1 =	sshll.u32 s28, $0x9;
	v9 =	vmov s29  }
0xa9: {  	v7 =	vsel vm0, v7, v3;
	[sflag:s30] =	ssyncadd.s32 @!p1 $0xFFFFF800;
	s31 =	sshll.u32 s28, $0xB;
	s30 =	sshra.s32 s1, $0x2;
	v10 =	vshll.u32 v9, $0x9  }
0xaa: {  	v9 =	vshll.u32 v9, $0x7;
	[tilespmem:s30+$0x19080] =	vst v7;
	v7 =	vor.u32 s31, v4;
	v10 =	vand.u32 $0x7000, v10  }
0xab: {  	v9 =	vand.u32 $0x380, v9;
	v11 =	vor.u32 v10, v6;
	v10 =	vor.u32 s5, v7;
	v8 =	vld.idx.msk [tilespmem:v8+s17+$0x0], $0xffff  }
0xac: {  	v9 =	vor.u32 v9, v11;
	_ =	sdelay $0x1  }
0xad: {  	s1 =	simm.s32 $0x2  }
0xae: {  	s30 =	sadd.s32 $0x19080, s30;
	s5 =	simm.s32 $0x3;
	v11 =	vmov s1  }
.LBB2_15:
0xaf: {  	p1 =	sne.s32 s5, $0x3F;
	v12 =	vshll.u32 v11, $0x9;
	[tilespmem:v10+s19+$0x0] =	vst.idx.msk $0xffff, v8  }
0xb0: {  	v11 =	vshll.u32 v11, $0x7;
	v10 =	vand.u32 $0x7000, v12;
	v8 =	vld.idx.msk [tilespmem:v9+s17+$0x0], $0xffff  }
.Ltmp15:
0xb1: {  	v9 =	vand.u32 $0x380, v11;
	v11 =	vor.u32 v10, v6;
	v10 =	vor.u32 s29, v7;
	s29 =	smov.u32 s1;
	s1 =	smov.u32 s5;
	(pc) =	sbr.rel @p1 .LBB2_15-.Ltmp15, $2  }
0xb2: {  	v9 =	vor.u32 v9, v11;
	_ =	sdelay $0x2  }
0xb3: {  	s5 =	sadd.s32 $0x1, s5;
	v11 =	vmov s1  }
0xb4: {  	_ =	sdelay $0x2  }
0xb5: {  	v12 =	vshll.u32 v11, $0x9  }
0xb6: {  	[tilespmem:v10+s19+$0x0] =	vst.idx.msk $0xffff, v8;
	v62 =	vshll.u32 v11, $0x7;
	v61 =	vand.u32 $0x7000, v12  }
0xb7: {  	v63 =	vor.u32 s29, v7;
	v9 =	vld.idx.msk [tilespmem:v9+s17+$0x0], $0xffff;
	v10 =	vand.u32 $0x380, v62;
	v6 =	vor.u32 v61, v6  }
0xb8: {  	v6 =	vor.u32 v10, v6;
	_ =	sdelay $0x3  }
0xb9: {  	[tilespmem:v63+s19+$0x0] =	vst.idx.msk $0xffff, v9  }
0xba: {  	v7 =	vor.u32 s1, v7;
	v6 =	vld.idx.msk [tilespmem:v6+s17+$0x0], $0xffff;
	_ =	sdelay $0x1  }
.Ltmp16:
0xbb: {  	_ = 	snop;
	(pc) =	sbr.rel .LBB2_17-.Ltmp16, $4  }
0xbc: {  	s31 =	sshll.u32 s28, $0xD  }
0xbd: {  	s1 =	sshra.s32 s31, $0x2  }
0xbe: {  	s1 =	sadd.s32 $0x18080, s1;
	[tilespmem:v7+s19+$0x0] =	vst.idx.msk $0xffff, v6  }
0xbf: {  	[hbm4b:s6+s20] =	stream.indirect.scatter [tilespmem:s1], [sflag:$0x3], $0x80, s30, s20, $0xb8;
	[tilespmem:$0x19180] =	vst v63  }
.LBB2_19:
0xc0: {  	p0 =	slt.s32 s22, $0x1  }
0xc1: {  	s1 =	simm.s32 @!p0 $0x3  }
0xc2: {  	p1 =	seq.s32 @!p0 s22, $0x1;
	_ =	swait.ge @!p0 [sflag:s1], $0x800  }
0xc3: {  	p1 =	por p1, p0;
	[sflag:s1] =	ssyncset.done @!p0 $0x0  }
0xc4: {  	[sflag:s1] =	ssyncadd.s32 @!p0 $0xFFFFF800;
	s1 =	simm.s32 @!p1 $0x3  }
0xc5: {  	_ =	swait.ge @!p1 [sflag:s1], $0x800  }
0xc6: {  	[sflag:s1] =	ssyncset.done @!p1 $0x0  }
0xc7: {  	s22 =	simm.s32 $0x0;
	[sflag:s1] =	ssyncadd.s32 @!p1 $0xFFFFF800  }
0xc8: {  	[tilespmem:s22], [sflag:$0x4] =	stream.linear.gather [hbm4b:s2+s22], $0x4000, $0x38;
	[tilespmem:$0x19180] =	vst v63  }
0xc9: {  	_ =	swait.ge [sflag:s14], $0x4000  }
0xca: {  	[sflag:s14] =	ssyncset.done $0x0  }
0xcb: {  	[sflag:s14] =	ssyncadd.s32 $0xFFFFC000  }
0xcc: {  	v5 =	vld [tilespmem:s22+$0x0];
	_ =	sdelay $0x4  }
0xcd: {  	v6 =	vshrl.u32 v5, $0x9  }
0xce: {  	v6 =	vand.u32 $0x1F, v6  }
0xcf: {  	vm1 =	vlt.s32 v5, $0xF4200;
	vm0 =	veq.s32 v6, v0  }
0xd0: {  	vm0 =	vmand vm1, vm0  }
0xd1: {  	v6 =	vshll.u32 v5, $0xE;
	v7 =	vmpcnt.ones.xlane vm0  }
0xd2: {  	v5 =	vshll.u32 v5, $0x9;
	v6 =	vand.u32 $0x7FC000, v6  }
0xd3: {  	v5 =	vand.u32 $0xFF800000, v5;
	v6 =	vor.u32 s22, v6;
	(v2sf) =	vpush v7, $0x0  }
0xd4: {  	v5 =	vor.u32 v5, v6  }
0xd5: {  	v5 =	vor.u32 v1, v5  }
0xd6: {  	s23 =	simm.s32 $0x10;
	[tilespmem:s22+$0x4000] =	vst.msk vm0, v5  }
0xd7: {  	v5 =	vld [tilespmem:s23+$0x0];
	_ =	sdelay $0x4  }
0xd8: {  	v6 =	vshrl.u32 v5, $0x9  }
0xd9: {  	v6 =	vand.u32 $0x1F, v6  }
0xda: {  	v7 =	vshll.u32 v5, $0xE;
	vm1 =	vlt.s32 v5, $0xF4200;
	vm0 =	veq.s32 v6, v0  }
0xdb: {  	v5 =	vshll.u32 v5, $0x9;
	v6 =	vand.u32 $0x7FC000, v7;
	vm0 =	vmand vm1, vm0  }
0xdc: {  	v5 =	vand.u32 $0xFF800000, v5;
	v6 =	vor.u32 s23, v6;
	v7 =	vmpcnt.ones.xlane vm0  }
0xdd: {  	v5 =	vor.u32 v5, v6  }
0xde: {  	s24 =	simm.s32 $0x20;
	v5 =	vor.u32 v1, v5;
	(v2sf) =	vpush v7, $0x0;
	s1 =	spop (v2sf)  }
.LBB2_20:
0xdf: {  	p0 =	sne.s32 s24, $0x3FF0  }
0xe0: {  	s22 =	sadd.s32 s22, s1;
	s1 =	smov.u32 s24;
	s24 =	sadd.s32 $0x10, s24  }
0xe1: {  	[tilespmem:s22+$0x4000] =	vst.msk vm0, v5  }
0xe2: {  	s23 =	sadd.s32 $0x10, s23  }
0xe3: {  	v5 =	vld [tilespmem:s23+$0x0];
	_ =	sdelay $0x4  }
0xe4: {  	v6 =	vshrl.u32 v5, $0x9;
	v7 =	vshll.u32 v5, $0x9;
	v8 =	vshll.u32 v5, $0xE  }
0xe5: {  	v6 =	vand.u32 $0x1F, v6;
	v7 =	vand.u32 $0xFF800000, v7;
	v8 =	vand.u32 $0x7FC000, v8  }
.Ltmp17:
0xe6: {  	vm1 =	vlt.s32 v5, $0xF4200;
	vm0 =	veq.s32 v6, v0;
	v5 =	vor.u32 s1, v8;
	(pc) =	sbr.rel @p0 .LBB2_20-.Ltmp17, $3  }
0xe7: {  	vm0 =	vmand vm1, vm0;
	v5 =	vor.u32 v7, v5  }
0xe8: {  	v5 =	vor.u32 v1, v5;
	v6 =	vmpcnt.ones.xlane vm0;
	_ =	sdelay $0x1  }
0xe9: {  	(v2sf) =	vpush v6, $0x0;
	s1 =	spop (v2sf)  }
0xea: {  	_ =	sdelay $0xd  }
0xeb: {  	s1 =	sadd.s32 s22, s1;
	s5 =	spop (v2sf)  }
.Ltmp18:
0xec: {  	[tilespmem:s1+$0x4000] =	vst.msk vm0, v5;
	s1 =	sadd.s32 s1, s5;
	(pc) =	sbr.rel .LBB2_22-.Ltmp18, $4  }
0xed: {  	[tilespmem:s1+$0x4000] =	vst v2;
	s1 =	sadd.s32 $0xF, s1  }
0xee: {  	[tilespmem:s17], [sflag:$0x1] =	stream.strided.gather [hbm4b:s12+s15], $0x8000, s16, s15, $0x38;
	[tilespmem:$0x19180] =	vst v63  }
0xef: {  	s23 =	sshrl.u32 s1, $0x4  }
0xf0: {  	s22 =	simm.s32 $0x0;
	s24 =	simm.s32 $0x0;
	p0 =	seq.s32 s23, $0x0  }
.LBB2_36:
0xf1: {  	s24 =	sadd.s32 $0x1, s24  }
0xf2: {  	p1 =	sne.s32 s24, $0x1F  }
.Ltmp19:
0xf3: {  	_ = 	snop;
	(pc) =	sbr.rel @!p1 .LBB2_37-.Ltmp19, $1  }
0xf4: {  	_ =	sdelay $0x3  }
.LBB2_22:
0xf5: {  	s25 =	sshllo.u32 s24, $0x1  }
0xf6: {  	s1 =	sshll.u32 s25, $0x5  }
0xf7: {  	s1 =	sor.u32 s9, s1  }
0xf8: {  	p1 =	sgt.u32 s1, $0x7A0  }
0xf9: {  	s1 =	sshll.u32 @!p1 s1, $0x9;
	s5 =	simm.s32 @!p1 $0x1000;
	s26 =	simm.s32 @!p1 $0x7A1400  }
.Ltmp20:
0xfa: {  	s28 =	simm.s32 @!p1 $0x10080;
	s1 =	sadd.s32 @!p1 s4, s1;
	(pc) =	sbr.rel @p0 .LBB2_29-.Ltmp20, $4  }
0xfb: {  	[tilespmem:s28], [sflag:$0x2] =	stream.strided.gather @!p1 [hbm4b:s1+s5], $0x8000, s26, s5, $0x38;
	[tilespmem:$0x19180] =	vst v63  }
0xfc: {  	_ =	swait.ge [sflag:s18], $0x8000  }
0xfd: {  	[sflag:s18] =	ssyncset.done $0x0  }
0xfe: {  	[sflag:s18] =	ssyncadd.s32 $0xFFFF8000  }
.Ltmp21:
0xff: {  	(pc) =	sbr.rel .LBB2_24-.Ltmp21, $3  }
0x100: {  	_ =	sdelay $0x1  }
0x101: {  	s1 =	sshll.u32 s24, $0x1  }
0x102: {  	s26 =	simm.s32 $0x0;
	v5 =	vmov s1  }
.LBB2_28:
0x103: {  	p2 =	sgt.s32 s28, $0x0;
	s1 =	simm.s32 $0x1;
	s26 =	sadd.s32 $0x1, s26  }
0x104: {  	s1 =	simm.s32 @!p2 $0x0;
	p2 =	sne.s32 s26, s23  }
.Ltmp22:
0x105: {  	_ = 	snop;
	(pc) =	sbr.rel @!p2 .LBB2_29-.Ltmp22, $2  }
0x106: {  	_ =	sdelay $0x2  }
0x107: {  	s22 =	sadd.s32 s1, s22  }
.LBB2_24:
0x108: {  	s1 =	sshll.u32 s26, $0x6  }
0x109: {  	s1 =	sshra.s32 s1, $0x2  }
0x10a: {  	v7 =	vld [tilespmem:s1+$0x4000];
	_ =	sdelay $0x4  }
0x10b: {  	v6 =	vshrl.u32 v7, $0x17  }
0x10c: {  	vm0 =	veq.s32 v6, v5  }
0x10d: {  	v6 =	vmpcnt.ones.xlane vm0;
	_ =	sdelay $0x1  }
0x10e: {  	(v2sf) =	vpush v6, $0x0;
	_ =	sdelay $0xe  }
0x10f: {  	s28 =	spop (v2sf)  }
0x110: {  	p2 =	slt.s32 s28, $0x1  }
.Ltmp23:
0x111: {  	_ = 	snop;
	(pc) =	sbr.rel @p2 .LBB2_28-.Ltmp23, $1  }
0x112: {  	_ =	sdelay $0x3  }
0x113: {  	s5 =	simm.s32 $0x0  }
0x114: {  	v6 =	vshrl.u32 v7, $0xE;
	v8 =	vshrl.u32 v7, $0xB;
	v9 =	vmov s5  }
0x115: {  	v6 =	vand.u32 $0x7F, v6;
	v8 =	vand.u32 $0xC00, v8;
	v10 =	vshll.u32 v9, $0x9  }
0x116: {  	s1 =	sshrl.u32 s22, $0x1F;
	v6 =	vor.u32 v8, v6;
	v9 =	vshll.u32 v9, $0x7;
	v8 =	vand.u32 $0x7000, v10  }
0x117: {  	p2 =	slt.s32 s22, $0x2;
	s1 =	sadd.s32 s1, s22;
	v9 =	vand.u32 $0x380, v9;
	v8 =	vor.u32 v8, v6  }
0x118: {  	s31 =	simm.s32 @!p2 $0x3;
	s1 =	sand.u32 $0xFFFFFFFE, s1;
	v8 =	vor.u32 v9, v8  }
0x119: {  	s30 =	simm.s32 $0x1;
	_ =	swait.ge @!p2 [sflag:s31], $0x800;
	s29 =	ssub.s32 s22, s1  }
0x11a: {  	v7 =	vand.u32 $0x3FFF, v7;
	[sflag:s31] =	ssyncset.done @!p2 $0x0;
	s1 =	sshll.u32 s29, $0x9;
	v9 =	vmov s30  }
0x11b: {  	v7 =	vsel vm0, v7, v3;
	[sflag:s31] =	ssyncadd.s32 @!p2 $0xFFFFF800;
	s31 =	sshra.s32 s1, $0x2;
	s1 =	sshll.u32 s29, $0xB;
	v10 =	vshll.u32 v9, $0x9  }
0x11c: {  	v9 =	vshll.u32 v9, $0x7;
	[tilespmem:s31+$0x19080] =	vst v7;
	v7 =	vor.u32 s1, v4;
	v10 =	vand.u32 $0x7000, v10  }
0x11d: {  	v9 =	vand.u32 $0x380, v9;
	v11 =	vor.u32 v10, v6;
	v10 =	vor.u32 s5, v7;
	v8 =	vld.idx.msk [tilespmem:v8+s17+$0x0], $0xffff  }
0x11e: {  	v9 =	vor.u32 v9, v11;
	_ =	sdelay $0x1  }
0x11f: {  	s1 =	simm.s32 $0x2  }
0x120: {  	s31 =	sadd.s32 $0x19080, s31;
	s5 =	simm.s32 $0x3;
	v11 =	vmov s1  }
.LBB2_26:
0x121: {  	p2 =	sne.s32 s5, $0x3F;
	v12 =	vshll.u32 v11, $0x9;
	[tilespmem:v10+s19+$0x0] =	vst.idx.msk $0xffff, v8  }
0x122: {  	v11 =	vshll.u32 v11, $0x7;
	v10 =	vand.u32 $0x7000, v12;
	v8 =	vld.idx.msk [tilespmem:v9+s17+$0x0], $0xffff  }
.Ltmp24:
0x123: {  	v9 =	vand.u32 $0x380, v11;
	v11 =	vor.u32 v10, v6;
	v10 =	vor.u32 s30, v7;
	s30 =	smov.u32 s1;
	s1 =	smov.u32 s5;
	(pc) =	sbr.rel @p2 .LBB2_26-.Ltmp24, $2  }
0x124: {  	v9 =	vor.u32 v9, v11;
	_ =	sdelay $0x2  }
0x125: {  	s5 =	sadd.s32 $0x1, s5;
	v11 =	vmov s1  }
0x126: {  	_ =	sdelay $0x2  }
0x127: {  	v12 =	vshll.u32 v11, $0x9  }
0x128: {  	[tilespmem:v10+s19+$0x0] =	vst.idx.msk $0xffff, v8;
	v62 =	vshll.u32 v11, $0x7;
	v61 =	vand.u32 $0x7000, v12  }
0x129: {  	v63 =	vor.u32 s30, v7;
	v9 =	vld.idx.msk [tilespmem:v9+s17+$0x0], $0xffff;
	v10 =	vand.u32 $0x380, v62;
	v6 =	vor.u32 v61, v6  }
0x12a: {  	v6 =	vor.u32 v10, v6;
	_ =	sdelay $0x3  }
0x12b: {  	[tilespmem:v63+s19+$0x0] =	vst.idx.msk $0xffff, v9  }
0x12c: {  	v7 =	vor.u32 s1, v7;
	v6 =	vld.idx.msk [tilespmem:v6+s17+$0x0], $0xffff;
	_ =	sdelay $0x1  }
.Ltmp25:
0x12d: {  	_ = 	snop;
	(pc) =	sbr.rel .LBB2_28-.Ltmp25, $4  }
0x12e: {  	s30 =	sshll.u32 s29, $0xD  }
0x12f: {  	s1 =	sshra.s32 s30, $0x2  }
0x130: {  	s1 =	sadd.s32 $0x18080, s1;
	[tilespmem:v7+s19+$0x0] =	vst.idx.msk $0xffff, v6  }
0x131: {  	[hbm4b:s7+s20] =	stream.indirect.scatter [tilespmem:s1], [sflag:$0x3], $0x80, s31, s20, $0xb8;
	[tilespmem:$0x19180] =	vst v63  }
.LBB2_29:
0x132: {  	s1 =	sshll.u32 s24, $0x6  }
0x133: {  	s1 =	sadd.s32 s11, s1  }
0x134: {  	p2 =	sgt.u32 s1, $0x7A0  }
0x135: {  	s1 =	sshll.u32 @!p2 s1, $0x9;
	s5 =	simm.s32 @!p2 $0x1000  }
0x136: {  	s26 =	simm.s32 @!p2 $0x7A1400;
	s28 =	simm.s32 @!p2 $0x8080;
	s1 =	sadd.s32 @!p2 s4, s1  }
0x137: {  	[tilespmem:s28], [sflag:$0x1] =	stream.strided.gather @!p2 [hbm4b:s1+s5], $0x8000, s26, s5, $0x38;
	[tilespmem:$0x19180] =	vst v63  }
.Ltmp26:
0x138: {  	_ = 	snop;
	(pc) =	sbr.rel @p0 .LBB2_36-.Ltmp26, $4  }
0x139: {  	s1 =	simm.s32 @!p1 $0x2  }
0x13a: {  	_ =	swait.ge @!p1 [sflag:s1], $0x8000  }
0x13b: {  	[sflag:s1] =	ssyncset.done @!p1 $0x0  }
0x13c: {  	[sflag:s1] =	ssyncadd.s32 @!p1 $0xFFFF8000  }
.Ltmp27:
0x13d: {  	(pc) =	sbr.rel .LBB2_31-.Ltmp27, $2  }
0x13e: {  	_ =	sdelay $0x2  }
0x13f: {  	v5 =	vmov s25;
	s25 =	simm.s32 $0x0  }
.LBB2_35:
0x140: {  	p1 =	sgt.s32 s26, $0x0;
	s1 =	simm.s32 $0x1;
	s25 =	sadd.s32 $0x1, s25  }
0x141: {  	s1 =	simm.s32 @!p1 $0x0;
	p1 =	sne.s32 s25, s23  }
.Ltmp28:
0x142: {  	_ = 	snop;
	(pc) =	sbr.rel @!p1 .LBB2_36-.Ltmp28, $2  }
0x143: {  	_ =	sdelay $0x2  }
0x144: {  	s22 =	sadd.s32 s1, s22  }
.LBB2_31:
0x145: {  	s1 =	sshll.u32 s25, $0x6  }
0x146: {  	s1 =	sshra.s32 s1, $0x2  }
0x147: {  	v7 =	vld [tilespmem:s1+$0x4000];
	_ =	sdelay $0x4  }
0x148: {  	v6 =	vshrl.u32 v7, $0x17  }
0x149: {  	vm0 =	veq.s32 v6, v5  }
0x14a: {  	v6 =	vmpcnt.ones.xlane vm0;
	_ =	sdelay $0x1  }
0x14b: {  	(v2sf) =	vpush v6, $0x0;
	_ =	sdelay $0xe  }
0x14c: {  	s26 =	spop (v2sf)  }
0x14d: {  	p1 =	slt.s32 s26, $0x1  }
.Ltmp29:
0x14e: {  	_ = 	snop;
	(pc) =	sbr.rel @p1 .LBB2_35-.Ltmp29, $1  }
0x14f: {  	_ =	sdelay $0x3  }
0x150: {  	v6 =	vshrl.u32 v7, $0xE;
	v8 =	vshrl.u32 v7, $0xB;
	s5 =	simm.s32 $0x0  }
0x151: {  	v6 =	vand.u32 $0x7F, v6;
	v8 =	vand.u32 $0xC00, v8;
	v9 =	vmov s5  }
0x152: {  	v6 =	vor.u32 v6, v8;
	v8 =	vshll.u32 v9, $0x9  }
0x153: {  	s1 =	sshrl.u32 s22, $0x1F;
	v9 =	vshll.u32 v9, $0x7;
	v6 =	vor.u32 $0x8000, v6;
	v8 =	vand.u32 $0x7000, v8  }
0x154: {  	p1 =	slt.s32 s22, $0x2;
	s1 =	sadd.s32 s1, s22;
	v9 =	vand.u32 $0x380, v9;
	v8 =	vor.u32 v8, v6  }
0x155: {  	s30 =	simm.s32 @!p1 $0x3;
	s1 =	sand.u32 $0xFFFFFFFE, s1;
	v8 =	vor.u32 v9, v8  }
0x156: {  	s29 =	simm.s32 $0x1;
	_ =	swait.ge @!p1 [sflag:s30], $0x800;
	s28 =	ssub.s32 s22, s1  }
0x157: {  	v7 =	vand.u32 $0x3FFF, v7;
	[sflag:s30] =	ssyncset.done @!p1 $0x0;
	s1 =	sshll.u32 s28, $0x9;
	v9 =	vmov s29  }
0x158: {  	v7 =	vsel vm0, v7, v3;
	[sflag:s30] =	ssyncadd.s32 @!p1 $0xFFFFF800;
	s31 =	sshll.u32 s28, $0xB;
	s30 =	sshra.s32 s1, $0x2;
	v10 =	vshll.u32 v9, $0x9  }
0x159: {  	v9 =	vshll.u32 v9, $0x7;
	[tilespmem:s30+$0x19080] =	vst v7;
	v7 =	vor.u32 s31, v4;
	v10 =	vand.u32 $0x7000, v10  }
0x15a: {  	v9 =	vand.u32 $0x380, v9;
	v11 =	vor.u32 v10, v6;
	v10 =	vor.u32 s5, v7;
	v8 =	vld.idx.msk [tilespmem:v8+s17+$0x0], $0xffff  }
0x15b: {  	v9 =	vor.u32 v9, v11;
	_ =	sdelay $0x1  }
0x15c: {  	s1 =	simm.s32 $0x2  }
0x15d: {  	s30 =	sadd.s32 $0x19080, s30;
	s5 =	simm.s32 $0x3;
	v11 =	vmov s1  }
.LBB2_33:
0x15e: {  	p1 =	sne.s32 s5, $0x3F;
	v12 =	vshll.u32 v11, $0x9;
	[tilespmem:v10+s19+$0x0] =	vst.idx.msk $0xffff, v8  }
0x15f: {  	v11 =	vshll.u32 v11, $0x7;
	v10 =	vand.u32 $0x7000, v12;
	v8 =	vld.idx.msk [tilespmem:v9+s17+$0x0], $0xffff  }
.Ltmp30:
0x160: {  	v9 =	vand.u32 $0x380, v11;
	v11 =	vor.u32 v10, v6;
	v10 =	vor.u32 s29, v7;
	s29 =	smov.u32 s1;
	s1 =	smov.u32 s5;
	(pc) =	sbr.rel @p1 .LBB2_33-.Ltmp30, $2  }
0x161: {  	v9 =	vor.u32 v9, v11;
	_ =	sdelay $0x2  }
0x162: {  	s5 =	sadd.s32 $0x1, s5;
	v11 =	vmov s1  }
0x163: {  	_ =	sdelay $0x2  }
0x164: {  	v12 =	vshll.u32 v11, $0x9  }
0x165: {  	[tilespmem:v10+s19+$0x0] =	vst.idx.msk $0xffff, v8;
	v62 =	vshll.u32 v11, $0x7;
	v61 =	vand.u32 $0x7000, v12  }
0x166: {  	v63 =	vor.u32 s29, v7;
	v9 =	vld.idx.msk [tilespmem:v9+s17+$0x0], $0xffff;
	v10 =	vand.u32 $0x380, v62;
	v6 =	vor.u32 v61, v6  }
0x167: {  	v6 =	vor.u32 v10, v6;
	_ =	sdelay $0x3  }
0x168: {  	[tilespmem:v63+s19+$0x0] =	vst.idx.msk $0xffff, v9  }
0x169: {  	v7 =	vor.u32 s1, v7;
	v6 =	vld.idx.msk [tilespmem:v6+s17+$0x0], $0xffff;
	_ =	sdelay $0x1  }
.Ltmp31:
0x16a: {  	_ = 	snop;
	(pc) =	sbr.rel .LBB2_35-.Ltmp31, $4  }
0x16b: {  	s31 =	sshll.u32 s28, $0xD  }
0x16c: {  	s1 =	sshra.s32 s31, $0x2  }
0x16d: {  	s1 =	sadd.s32 $0x18080, s1;
	[tilespmem:v7+s19+$0x0] =	vst.idx.msk $0xffff, v6  }
0x16e: {  	[hbm4b:s7+s20] =	stream.indirect.scatter [tilespmem:s1], [sflag:$0x3], $0x80, s30, s20, $0xb8;
	[tilespmem:$0x19180] =	vst v63  }
.LBB2_38:
0x16f: {  	_ =	sfence.sel $0x180000  }
0x170: {  	[bflag:$0x0] =	sbarrier.arrive $0xFFFF  }
0x171: {  	_ =	strace $0x90000047  }
0x172: {  	s0 =	stileid.u32;
	[bflag:$0x2] =	sbarrier.arrive $0xFFFF  }
0x173: {  	p0 =	sne.s32 s0, $0x0;
	s0 =	rddreg [dreg:$0x6]  }
0x174: {  	s0 =	sadd.s32 @!p0 $0x100000, s0  }
0x175: {  	[sflag:s0] =	ssyncadd.tile.s32 @!p0 $0x1;
	_ =	shalt  }
.Lfunc_end2:
_tile_overlayer_lowered:
.L_overlay_start_2:
0x176: {  	(tag) =	ssettag $0x2  }
0x177: {  	s0 =	rddreg [dreg:$0x0];
	s2 =	stileid.u32  }
0x178: {  	s1 =	rddreg [dreg:$0x1];
	p0 =	sne.s32 s2, $0x0  }
0x179: {  	s3 =	rddreg [dreg:$0x2];
	[bflag:$0x3] =	sbarrier.arrive $0xFFFF;
	s2 =	simm.s32 @!p0 $0x1C04  }
0x17a: {  	[timem:s3], [sflag:s2] =	dma.local @!p0 [hbm:s0], s1  }
0x17b: {  	s0 =	simm.s32 @!p0 $0x4  }
0x17c: {  	_ =	swait.ge @!p0 [sflag:s0], s1  }
0x17d: {  	s1 =	ssub.s32 @!p0 $0x0, s1;
	[sflag:s0] =	ssyncset.done @!p0 $0x0  }
0x17e: {  	[sflag:s0] =	ssyncadd.s32 @!p0 s1  }
0x17f: {  	[bflag:$0x3] =	sbarrier.arrive $0xFFFF  }
0x180: {  	_ =	shalt  }

</sc_bundles>
